<compile_context>
chip_gen: v7x
topology: tpu7x:2x2x1
jax: 0.10.2.dev20260603
libtpu: 0.0.44.dev20260713+nightly
codegen_flags: <defaults>
</compile_context>

<pallas_src>
import functools

import jax
import jax.numpy as jnp
from jax import lax
from jax.experimental import pallas as pl
from jax.experimental.pallas import tpu as pltpu
from jax.experimental.pallas import tpu_sc as plsc

F = 26
B = 16384
V = 100000
NC, NS, L = 2, 16, 16
NW = NC * NS
W = B // NW
GC = 128


def _body(xt_hbm, table_hbm, bias_hbm, out_hbm, xbuf, idxbuf, valbuf, accbuf,
          biasbuf, sem):
    wid = lax.axis_index("s") * NC + lax.axis_index("c")
    base = wid * W

    pltpu.sync_copy(xt_hbm.at[:, pl.ds(base, W)], xbuf)
    pltpu.sync_copy(bias_hbm, biasbuf)

    for v in range(W // L):
        accbuf[pl.ds(v * L, L)] = jnp.zeros((L,), jnp.float32)

    def feature_step(f, carry):
        off = f * V
        for v in range(W // L):
            idxbuf[pl.ds(v * L, L)] = xbuf[f, pl.ds(v * L, L)] + off
        copies = [
            pltpu.async_copy(
                table_hbm.at[idxbuf.at[pl.ds(c * GC, GC)]],
                valbuf.at[pl.ds(c * GC, GC)], sem)
            for c in range(W // GC)
        ]
        for cp in copies:
            cp.wait()
        for v in range(W // L):
            accbuf[pl.ds(v * L, L)] = (accbuf[pl.ds(v * L, L)]
                                       + valbuf[pl.ds(v * L, L)])
        return carry

    lax.fori_loop(0, F, feature_step, 0)

    bias_v = biasbuf[...]
    for v in range(W // L):
        accbuf[pl.ds(v * L, L)] = accbuf[pl.ds(v * L, L)] + bias_v
    pltpu.sync_copy(accbuf, out_hbm.at[pl.ds(base, W)])


@jax.jit
def kernel(x, table, bias):
    xt = x.T.reshape(F, B)
    table_flat = table.reshape(-1)
    bias16 = jnp.broadcast_to(bias, (L,))

    sc_kernel = functools.partial(
        pl.kernel,
        mesh=plsc.VectorSubcoreMesh(core_axis_name="c", subcore_axis_name="s"),
        out_type=jax.ShapeDtypeStruct((B,), jnp.float32),
        scratch_types=[
            pltpu.VMEM((F, W), jnp.int32),
            pltpu.VMEM((W,), jnp.int32),
            pltpu.VMEM((W,), jnp.float32),
            pltpu.VMEM((W,), jnp.float32),
            pltpu.VMEM((L,), jnp.float32),
            pltpu.SemaphoreType.DMA,
        ],
    )(_body)
    out = sc_kernel(xt, table_flat, bias16)
    return out.reshape(B, 1)

# --- scband reference (transcript-rebuilt; emitter-appended) ---
"""Pipeline reference for scband-categorical-features-lineal-31971736551860 (READ-ONLY COPY).

The authoritative reference and input builder live on the scoring server;
editing this copy changes nothing except your own understanding.
"""

import jax, jax.numpy as jnp
import numpy as np

FEATURES_N_VALUES = [100000] * 26
N_OUTPUTS = 1
TOTAL_ROWS = int(sum(FEATURES_N_VALUES))
# MultiFeatureEmbedding: one concatenated table, each feature f gets rows
# [offset_f, offset_f + features_n_values[f]); lookup is table[x + offsets].
OFFSETS = np.concatenate([[0], np.cumsum(FEATURES_N_VALUES)[:-1]]).astype(np.int32)


def setup_inputs(seed: int = 0) -> dict:
    key = jax.random.key(seed)
    k1, k2, k3 = jax.random.split(key, 3)
    x = jax.random.randint(k1, (16384, 26), 0, 100000, dtype=jnp.int32)
    # learned parameters: concatenated embedding table + bias (normal_ init)
    table = jax.random.normal(k2, (TOTAL_ROWS, N_OUTPUTS), dtype=jnp.float32) * 0.01
    bias = jax.random.normal(k3, (N_OUTPUTS,), dtype=jnp.float32)
    return {"x": x, "table": table, "bias": bias}


def reference(x, table, bias):
    offsets = jnp.asarray(OFFSETS, dtype=x.dtype)
    idx = x + offsets[None, :]                 # [B, F], global row ids
    emb = jnp.take(table, idx, axis=0)         # [B, F, n_outputs] gather
    return jnp.sum(emb, axis=1) + bias         # [B, n_outputs]

if __name__ == "__main__":
    import jax
    _d = setup_inputs()
    print(jax.jit(kernel)(*tuple(_d.values())))

</pallas_src>

<mosaic_0001>
#map = affine_map<(d0, d1) -> (0, 0)>
#map1 = affine_map<(d0, d1) -> (0)>
module attributes {stable_mosaic.version = 14 : i64} {
  func.func @_body(%arg0: i32, %arg1: i32, %arg2: memref<26x16384xi32, #tpu.memory_space<hbm>>, %arg3: memref<2600000xf32, #tpu.memory_space<hbm>>, %arg4: memref<16xf32, #tpu.memory_space<hbm>>, %arg5: memref<16384xf32, #tpu.memory_space<hbm>>, %arg6: memref<26x512xi32, #tpu.memory_space<vmem>>, %arg7: memref<512xi32, #tpu.memory_space<vmem>>, %arg8: memref<512xf32, #tpu.memory_space<vmem>>, %arg9: memref<512xf32, #tpu.memory_space<vmem>>, %arg10: memref<16xf32, #tpu.memory_space<vmem>>, %arg11: memref<!tpu.dma_semaphore, #tpu.memory_space<semaphore_mem>>) attributes {dimension_semantics = [#tpu.dimension_semantics<core_parallel>, #tpu.dimension_semantics<subcore_parallel>], iteration_bounds = array<i64: 2, 16>, scalar_prefetch = 0 : i64, scratch_operands = 6 : i64, tpu.core_type = #tpu.core_type<sc_vector_subcore>, window_params = [{transform_indices = #map}, {transform_indices = #map1}, {transform_indices = #map1}, {transform_indices = #map1}]} {
    %mul3A = arith.constant 2 : i32
    %mul3A_0 = arith.muli %arg1, %mul3A : i32
    %add3A = arith.addi %mul3A_0, %arg0 : i32
    %mul3A_1 = arith.constant 512 : i32
    %mul3A_2 = arith.muli %add3A, %mul3A_1 : i32
    "tpu.region"() ({
      %run_scoped3A = tpu.sem_alloc : memref<!tpu.dma_semaphore, #tpu.memory_space<semaphore_mem>>
      %dma_start3A = arith.constant 0 : i32
      %dma_start3A_456 = tpu.memref_slice %arg2[%dma_start3A, %mul3A_2] : memref<26x16384xi32, #tpu.memory_space<hbm>> -> memref<26x512xi32, #tpu.memory_space<hbm>>
      %dma_start3A_457 = arith.constant 0 : i32
      %dma_start3A_458 = tpu.memref_slice %arg2[%dma_start3A_457, %mul3A_2] : memref<26x16384xi32, #tpu.memory_space<hbm>> -> memref<26x512xi32, #tpu.memory_space<hbm>>
      tpu.enqueue_dma source(%dma_start3A_458 : memref<26x512xi32, #tpu.memory_space<hbm>>) target(%arg6 : memref<26x512xi32, #tpu.memory_space<vmem>>) target_semaphore(%run_scoped3A : memref<!tpu.dma_semaphore, #tpu.memory_space<semaphore_mem>>)
      %dma_wait3A = arith.constant 0 : i32
      %dma_wait3A_459 = tpu.memref_slice %arg2[%dma_wait3A, %mul3A_2] : memref<26x16384xi32, #tpu.memory_space<hbm>> -> memref<26x512xi32, #tpu.memory_space<hbm>>
      %dma_wait3A_460 = arith.constant 0 : i32
      %dma_wait3A_461 = tpu.memref_slice %arg2[%dma_wait3A_460, %mul3A_2] : memref<26x16384xi32, #tpu.memory_space<hbm>> -> memref<26x512xi32, #tpu.memory_space<hbm>>
      tpu.wait_dma2 semaphore(%run_scoped3A : memref<!tpu.dma_semaphore, #tpu.memory_space<semaphore_mem>>) src(%dma_wait3A_461 : memref<26x512xi32, #tpu.memory_space<hbm>>) dst(%arg6 : memref<26x512xi32, #tpu.memory_space<vmem>>)
      tpu.yield
    }) : () -> ()
    "tpu.region"() ({
      %run_scoped3A = tpu.sem_alloc : memref<!tpu.dma_semaphore, #tpu.memory_space<semaphore_mem>>
      tpu.enqueue_dma source(%arg4 : memref<16xf32, #tpu.memory_space<hbm>>) target(%arg10 : memref<16xf32, #tpu.memory_space<vmem>>) target_semaphore(%run_scoped3A : memref<!tpu.dma_semaphore, #tpu.memory_space<semaphore_mem>>)
      tpu.wait_dma2 semaphore(%run_scoped3A : memref<!tpu.dma_semaphore, #tpu.memory_space<semaphore_mem>>) src(%arg4 : memref<16xf32, #tpu.memory_space<hbm>>) dst(%arg10 : memref<16xf32, #tpu.memory_space<vmem>>)
      tpu.yield
    }) : () -> ()
    %broadcast_in_dim3A = arith.constant 0.000000e+00 : f32
    %broadcast_in_dim3A_3 = vector.broadcast %broadcast_in_dim3A : f32 to vector<16xf32>
    %swap3A = arith.constant 0 : index
    %swap3A_4 = tpu.vector_load %arg9[%swap3A] {strides = array<i32>} : memref<512xf32, #tpu.memory_space<vmem>>, vector<16xf32>,
    %swap3A_5 = vector.shape_cast %swap3A_4 : vector<16xf32> to vector<16xf32>
    %swap3A_6 = vector.shape_cast %broadcast_in_dim3A_3 : vector<16xf32> to vector<16xf32>
    tpu.vector_store %arg9[%swap3A], %swap3A_6 {strides = array<i32>} : memref<512xf32, #tpu.memory_space<vmem>>, vector<16xf32>,
    %broadcast_in_dim3A_7 = arith.constant 0.000000e+00 : f32
    %broadcast_in_dim3A_8 = vector.broadcast %broadcast_in_dim3A_7 : f32 to vector<16xf32>
    %swap3A_9 = arith.constant 16 : index
    %swap3A_10 = tpu.vector_load %arg9[%swap3A_9] {strides = array<i32>} : memref<512xf32, #tpu.memory_space<vmem>>, vector<16xf32>,
    %swap3A_11 = vector.shape_cast %swap3A_10 : vector<16xf32> to vector<16xf32>
    %swap3A_12 = vector.shape_cast %broadcast_in_dim3A_8 : vector<16xf32> to vector<16xf32>
    tpu.vector_store %arg9[%swap3A_9], %swap3A_12 {strides = array<i32>} : memref<512xf32, #tpu.memory_space<vmem>>, vector<16xf32>,
    %broadcast_in_dim3A_13 = arith.constant 0.000000e+00 : f32
    %broadcast_in_dim3A_14 = vector.broadcast %broadcast_in_dim3A_13 : f32 to vector<16xf32>
    %swap3A_15 = arith.constant 32 : index
    %swap3A_16 = tpu.vector_load %arg9[%swap3A_15] {strides = array<i32>} : memref<512xf32, #tpu.memory_space<vmem>>, vector<16xf32>,
    %swap3A_17 = vector.shape_cast %swap3A_16 : vector<16xf32> to vector<16xf32>
    %swap3A_18 = vector.shape_cast %broadcast_in_dim3A_14 : vector<16xf32> to vector<16xf32>
    tpu.vector_store %arg9[%swap3A_15], %swap3A_18 {strides = array<i32>} : memref<512xf32, #tpu.memory_space<vmem>>, vector<16xf32>,
    %broadcast_in_dim3A_19 = arith.constant 0.000000e+00 : f32
    %broadcast_in_dim3A_20 = vector.broadcast %broadcast_in_dim3A_19 : f32 to vector<16xf32>
    %swap3A_21 = arith.constant 48 : index
    %swap3A_22 = tpu.vector_load %arg9[%swap3A_21] {strides = array<i32>} : memref<512xf32, #tpu.memory_space<vmem>>, vector<16xf32>,
    %swap3A_23 = vector.shape_cast %swap3A_22 : vector<16xf32> to vector<16xf32>
    %swap3A_24 = vector.shape_cast %broadcast_in_dim3A_20 : vector<16xf32> to vector<16xf32>
    tpu.vector_store %arg9[%swap3A_21], %swap3A_24 {strides = array<i32>} : memref<512xf32, #tpu.memory_space<vmem>>, vector<16xf32>,
    %broadcast_in_dim3A_25 = arith.constant 0.000000e+00 : f32
    %broadcast_in_dim3A_26 = vector.broadcast %broadcast_in_dim3A_25 : f32 to vector<16xf32>
    %swap3A_27 = arith.constant 64 : index
    %swap3A_28 = tpu.vector_load %arg9[%swap3A_27] {strides = array<i32>} : memref<512xf32, #tpu.memory_space<vmem>>, vector<16xf32>,
    %swap3A_29 = vector.shape_cast %swap3A_28 : vector<16xf32> to vector<16xf32>
    %swap3A_30 = vector.shape_cast %broadcast_in_dim3A_26 : vector<16xf32> to vector<16xf32>
    tpu.vector_store %arg9[%swap3A_27], %swap3A_30 {strides = array<i32>} : memref<512xf32, #tpu.memory_space<vmem>>, vector<16xf32>,
    %broadcast_in_dim3A_31 = arith.constant 0.000000e+00 : f32
    %broadcast_in_dim3A_32 = vector.broadcast %broadcast_in_dim3A_31 : f32 to vector<16xf32>
    %swap3A_33 = arith.constant 80 : index
    %swap3A_34 = tpu.vector_load %arg9[%swap3A_33] {strides = array<i32>} : memref<512xf32, #tpu.memory_space<vmem>>, vector<16xf32>,
    %swap3A_35 = vector.shape_cast %swap3A_34 : vector<16xf32> to vector<16xf32>
    %swap3A_36 = vector.shape_cast %broadcast_in_dim3A_32 : vector<16xf32> to vector<16xf32>
    tpu.vector_store %arg9[%swap3A_33], %swap3A_36 {strides = array<i32>} : memref<512xf32, #tpu.memory_space<vmem>>, vector<16xf32>,
    %broadcast_in_dim3A_37 = arith.constant 0.000000e+00 : f32
    %broadcast_in_dim3A_38 = vector.broadcast %broadcast_in_dim3A_37 : f32 to vector<16xf32>
    %swap3A_39 = arith.constant 96 : index
    %swap3A_40 = tpu.vector_load %arg9[%swap3A_39] {strides = array<i32>} : memref<512xf32, #tpu.memory_space<vmem>>, vector<16xf32>,
    %swap3A_41 = vector.shape_cast %swap3A_40 : vector<16xf32> to vector<16xf32>
    %swap3A_42 = vector.shape_cast %broadcast_in_dim3A_38 : vector<16xf32> to vector<16xf32>
    tpu.vector_store %arg9[%swap3A_39], %swap3A_42 {strides = array<i32>} : memref<512xf32, #tpu.memory_space<vmem>>, vector<16xf32>,
    %broadcast_in_dim3A_43 = arith.constant 0.000000e+00 : f32
    %broadcast_in_dim3A_44 = vector.broadcast %broadcast_in_dim3A_43 : f32 to vector<16xf32>
    %swap3A_45 = arith.constant 112 : index
    %swap3A_46 = tpu.vector_load %arg9[%swap3A_45] {strides = array<i32>} : memref<512xf32, #tpu.memory_space<vmem>>, vector<16xf32>,
    %swap3A_47 = vector.shape_cast %swap3A_46 : vector<16xf32> to vector<16xf32>
    %swap3A_48 = vector.shape_cast %broadcast_in_dim3A_44 : vector<16xf32> to vector<16xf32>
    tpu.vector_store %arg9[%swap3A_45], %swap3A_48 {strides = array<i32>} : memref<512xf32, #tpu.memory_space<vmem>>, vector<16xf32>,
    %broadcast_in_dim3A_49 = arith.constant 0.000000e+00 : f32
    %broadcast_in_dim3A_50 = vector.broadcast %broadcast_in_dim3A_49 : f32 to vector<16xf32>
    %swap3A_51 = arith.constant 128 : index
    %swap3A_52 = tpu.vector_load %arg9[%swap3A_51] {strides = array<i32>} : memref<512xf32, #tpu.memory_space<vmem>>, vector<16xf32>,
    %swap3A_53 = vector.shape_cast %swap3A_52 : vector<16xf32> to vector<16xf32>
    %swap3A_54 = vector.shape_cast %broadcast_in_dim3A_50 : vector<16xf32> to vector<16xf32>
    tpu.vector_store %arg9[%swap3A_51], %swap3A_54 {strides = array<i32>} : memref<512xf32, #tpu.memory_space<vmem>>, vector<16xf32>,
    %broadcast_in_dim3A_55 = arith.constant 0.000000e+00 : f32
    %broadcast_in_dim3A_56 = vector.broadcast %broadcast_in_dim3A_55 : f32 to vector<16xf32>
    %swap3A_57 = arith.constant 144 : index
    %swap3A_58 = tpu.vector_load %arg9[%swap3A_57] {strides = array<i32>} : memref<512xf32, #tpu.memory_space<vmem>>, vector<16xf32>,
    %swap3A_59 = vector.shape_cast %swap3A_58 : vector<16xf32> to vector<16xf32>
    %swap3A_60 = vector.shape_cast %broadcast_in_dim3A_56 : vector<16xf32> to vector<16xf32>
    tpu.vector_store %arg9[%swap3A_57], %swap3A_60 {strides = array<i32>} : memref<512xf32, #tpu.memory_space<vmem>>, vector<16xf32>,
    %broadcast_in_dim3A_61 = arith.constant 0.000000e+00 : f32
    %broadcast_in_dim3A_62 = vector.broadcast %broadcast_in_dim3A_61 : f32 to vector<16xf32>
    %swap3A_63 = arith.constant 160 : index
    %swap3A_64 = tpu.vector_load %arg9[%swap3A_63] {strides = array<i32>} : memref<512xf32, #tpu.memory_space<vmem>>, vector<16xf32>,
    %swap3A_65 = vector.shape_cast %swap3A_64 : vector<16xf32> to vector<16xf32>
    %swap3A_66 = vector.shape_cast %broadcast_in_dim3A_62 : vector<16xf32> to vector<16xf32>
    tpu.vector_store %arg9[%swap3A_63], %swap3A_66 {strides = array<i32>} : memref<512xf32, #tpu.memory_space<vmem>>, vector<16xf32>,
    %broadcast_in_dim3A_67 = arith.constant 0.000000e+00 : f32
    %broadcast_in_dim3A_68 = vector.broadcast %broadcast_in_dim3A_67 : f32 to vector<16xf32>
    %swap3A_69 = arith.constant 176 : index
    %swap3A_70 = tpu.vector_load %arg9[%swap3A_69] {strides = array<i32>} : memref<512xf32, #tpu.memory_space<vmem>>, vector<16xf32>,
    %swap3A_71 = vector.shape_cast %swap3A_70 : vector<16xf32> to vector<16xf32>
    %swap3A_72 = vector.shape_cast %broadcast_in_dim3A_68 : vector<16xf32> to vector<16xf32>
    tpu.vector_store %arg9[%swap3A_69], %swap3A_72 {strides = array<i32>} : memref<512xf32, #tpu.memory_space<vmem>>, vector<16xf32>,
    %broadcast_in_dim3A_73 = arith.constant 0.000000e+00 : f32
    %broadcast_in_dim3A_74 = vector.broadcast %broadcast_in_dim3A_73 : f32 to vector<16xf32>
    %swap3A_75 = arith.constant 192 : index
    %swap3A_76 = tpu.vector_load %arg9[%swap3A_75] {strides = array<i32>} : memref<512xf32, #tpu.memory_space<vmem>>, vector<16xf32>,
    %swap3A_77 = vector.shape_cast %swap3A_76 : vector<16xf32> to vector<16xf32>
    %swap3A_78 = vector.shape_cast %broadcast_in_dim3A_74 : vector<16xf32> to vector<16xf32>
    tpu.vector_store %arg9[%swap3A_75], %swap3A_78 {strides = array<i32>} : memref<512xf32, #tpu.memory_space<vmem>>, vector<16xf32>,
    %broadcast_in_dim3A_79 = arith.constant 0.000000e+00 : f32
    %broadcast_in_dim3A_80 = vector.broadcast %broadcast_in_dim3A_79 : f32 to vector<16xf32>
    %swap3A_81 = arith.constant 208 : index
    %swap3A_82 = tpu.vector_load %arg9[%swap3A_81] {strides = array<i32>} : memref<512xf32, #tpu.memory_space<vmem>>, vector<16xf32>,
    %swap3A_83 = vector.shape_cast %swap3A_82 : vector<16xf32> to vector<16xf32>
    %swap3A_84 = vector.shape_cast %broadcast_in_dim3A_80 : vector<16xf32> to vector<16xf32>
    tpu.vector_store %arg9[%swap3A_81], %swap3A_84 {strides = array<i32>} : memref<512xf32, #tpu.memory_space<vmem>>, vector<16xf32>,
    %broadcast_in_dim3A_85 = arith.constant 0.000000e+00 : f32
    %broadcast_in_dim3A_86 = vector.broadcast %broadcast_in_dim3A_85 : f32 to vector<16xf32>
    %swap3A_87 = arith.constant 224 : index
    %swap3A_88 = tpu.vector_load %arg9[%swap3A_87] {strides = array<i32>} : memref<512xf32, #tpu.memory_space<vmem>>, vector<16xf32>,
    %swap3A_89 = vector.shape_cast %swap3A_88 : vector<16xf32> to vector<16xf32>
    %swap3A_90 = vector.shape_cast %broadcast_in_dim3A_86 : vector<16xf32> to vector<16xf32>
    tpu.vector_store %arg9[%swap3A_87], %swap3A_90 {strides = array<i32>} : memref<512xf32, #tpu.memory_space<vmem>>, vector<16xf32>,
    %broadcast_in_dim3A_91 = arith.constant 0.000000e+00 : f32
    %broadcast_in_dim3A_92 = vector.broadcast %broadcast_in_dim3A_91 : f32 to vector<16xf32>
    %swap3A_93 = arith.constant 240 : index
    %swap3A_94 = tpu.vector_load %arg9[%swap3A_93] {strides = array<i32>} : memref<512xf32, #tpu.memory_space<vmem>>, vector<16xf32>,
    %swap3A_95 = vector.shape_cast %swap3A_94 : vector<16xf32> to vector<16xf32>
    %swap3A_96 = vector.shape_cast %broadcast_in_dim3A_92 : vector<16xf32> to vector<16xf32>
    tpu.vector_store %arg9[%swap3A_93], %swap3A_96 {strides = array<i32>} : memref<512xf32, #tpu.memory_space<vmem>>, vector<16xf32>,
    %broadcast_in_dim3A_97 = arith.constant 0.000000e+00 : f32
    %broadcast_in_dim3A_98 = vector.broadcast %broadcast_in_dim3A_97 : f32 to vector<16xf32>
    %swap3A_99 = arith.constant 256 : index
    %swap3A_100 = tpu.vector_load %arg9[%swap3A_99] {strides = array<i32>} : memref<512xf32, #tpu.memory_space<vmem>>, vector<16xf32>,
    %swap3A_101 = vector.shape_cast %swap3A_100 : vector<16xf32> to vector<16xf32>
    %swap3A_102 = vector.shape_cast %broadcast_in_dim3A_98 : vector<16xf32> to vector<16xf32>
    tpu.vector_store %arg9[%swap3A_99], %swap3A_102 {strides = array<i32>} : memref<512xf32, #tpu.memory_space<vmem>>, vector<16xf32>,
    %broadcast_in_dim3A_103 = arith.constant 0.000000e+00 : f32
    %broadcast_in_dim3A_104 = vector.broadcast %broadcast_in_dim3A_103 : f32 to vector<16xf32>
    %swap3A_105 = arith.constant 272 : index
    %swap3A_106 = tpu.vector_load %arg9[%swap3A_105] {strides = array<i32>} : memref<512xf32, #tpu.memory_space<vmem>>, vector<16xf32>,
    %swap3A_107 = vector.shape_cast %swap3A_106 : vector<16xf32> to vector<16xf32>
    %swap3A_108 = vector.shape_cast %broadcast_in_dim3A_104 : vector<16xf32> to vector<16xf32>
    tpu.vector_store %arg9[%swap3A_105], %swap3A_108 {strides = array<i32>} : memref<512xf32, #tpu.memory_space<vmem>>, vector<16xf32>,
    %broadcast_in_dim3A_109 = arith.constant 0.000000e+00 : f32
    %broadcast_in_dim3A_110 = vector.broadcast %broadcast_in_dim3A_109 : f32 to vector<16xf32>
    %swap3A_111 = arith.constant 288 : index
    %swap3A_112 = tpu.vector_load %arg9[%swap3A_111] {strides = array<i32>} : memref<512xf32, #tpu.memory_space<vmem>>, vector<16xf32>,
    %swap3A_113 = vector.shape_cast %swap3A_112 : vector<16xf32> to vector<16xf32>
    %swap3A_114 = vector.shape_cast %broadcast_in_dim3A_110 : vector<16xf32> to vector<16xf32>
    tpu.vector_store %arg9[%swap3A_111], %swap3A_114 {strides = array<i32>} : memref<512xf32, #tpu.memory_space<vmem>>, vector<16xf32>,
    %broadcast_in_dim3A_115 = arith.constant 0.000000e+00 : f32
    %broadcast_in_dim3A_116 = vector.broadcast %broadcast_in_dim3A_115 : f32 to vector<16xf32>
    %swap3A_117 = arith.constant 304 : index
    %swap3A_118 = tpu.vector_load %arg9[%swap3A_117] {strides = array<i32>} : memref<512xf32, #tpu.memory_space<vmem>>, vector<16xf32>,
    %swap3A_119 = vector.shape_cast %swap3A_118 : vector<16xf32> to vector<16xf32>
    %swap3A_120 = vector.shape_cast %broadcast_in_dim3A_116 : vector<16xf32> to vector<16xf32>
    tpu.vector_store %arg9[%swap3A_117], %swap3A_120 {strides = array<i32>} : memref<512xf32, #tpu.memory_space<vmem>>, vector<16xf32>,
    %broadcast_in_dim3A_121 = arith.constant 0.000000e+00 : f32
    %broadcast_in_dim3A_122 = vector.broadcast %broadcast_in_dim3A_121 : f32 to vector<16xf32>
    %swap3A_123 = arith.constant 320 : index
    %swap3A_124 = tpu.vector_load %arg9[%swap3A_123] {strides = array<i32>} : memref<512xf32, #tpu.memory_space<vmem>>, vector<16xf32>,
    %swap3A_125 = vector.shape_cast %swap3A_124 : vector<16xf32> to vector<16xf32>
    %swap3A_126 = vector.shape_cast %broadcast_in_dim3A_122 : vector<16xf32> to vector<16xf32>
    tpu.vector_store %arg9[%swap3A_123], %swap3A_126 {strides = array<i32>} : memref<512xf32, #tpu.memory_space<vmem>>, vector<16xf32>,
    %broadcast_in_dim3A_127 = arith.constant 0.000000e+00 : f32
    %broadcast_in_dim3A_128 = vector.broadcast %broadcast_in_dim3A_127 : f32 to vector<16xf32>
    %swap3A_129 = arith.constant 336 : index
    %swap3A_130 = tpu.vector_load %arg9[%swap3A_129] {strides = array<i32>} : memref<512xf32, #tpu.memory_space<vmem>>, vector<16xf32>,
    %swap3A_131 = vector.shape_cast %swap3A_130 : vector<16xf32> to vector<16xf32>
    %swap3A_132 = vector.shape_cast %broadcast_in_dim3A_128 : vector<16xf32> to vector<16xf32>
    tpu.vector_store %arg9[%swap3A_129], %swap3A_132 {strides = array<i32>} : memref<512xf32, #tpu.memory_space<vmem>>, vector<16xf32>,
    %broadcast_in_dim3A_133 = arith.constant 0.000000e+00 : f32
    %broadcast_in_dim3A_134 = vector.broadcast %broadcast_in_dim3A_133 : f32 to vector<16xf32>
    %swap3A_135 = arith.constant 352 : index
    %swap3A_136 = tpu.vector_load %arg9[%swap3A_135] {strides = array<i32>} : memref<512xf32, #tpu.memory_space<vmem>>, vector<16xf32>,
    %swap3A_137 = vector.shape_cast %swap3A_136 : vector<16xf32> to vector<16xf32>
    %swap3A_138 = vector.shape_cast %broadcast_in_dim3A_134 : vector<16xf32> to vector<16xf32>
    tpu.vector_store %arg9[%swap3A_135], %swap3A_138 {strides = array<i32>} : memref<512xf32, #tpu.memory_space<vmem>>, vector<16xf32>,
    %broadcast_in_dim3A_139 = arith.constant 0.000000e+00 : f32
    %broadcast_in_dim3A_140 = vector.broadcast %broadcast_in_dim3A_139 : f32 to vector<16xf32>
    %swap3A_141 = arith.constant 368 : index
    %swap3A_142 = tpu.vector_load %arg9[%swap3A_141] {strides = array<i32>} : memref<512xf32, #tpu.memory_space<vmem>>, vector<16xf32>,
    %swap3A_143 = vector.shape_cast %swap3A_142 : vector<16xf32> to vector<16xf32>
    %swap3A_144 = vector.shape_cast %broadcast_in_dim3A_140 : vector<16xf32> to vector<16xf32>
    tpu.vector_store %arg9[%swap3A_141], %swap3A_144 {strides = array<i32>} : memref<512xf32, #tpu.memory_space<vmem>>, vector<16xf32>,
    %broadcast_in_dim3A_145 = arith.constant 0.000000e+00 : f32
    %broadcast_in_dim3A_146 = vector.broadcast %broadcast_in_dim3A_145 : f32 to vector<16xf32>
    %swap3A_147 = arith.constant 384 : index
    %swap3A_148 = tpu.vector_load %arg9[%swap3A_147] {strides = array<i32>} : memref<512xf32, #tpu.memory_space<vmem>>, vector<16xf32>,
    %swap3A_149 = vector.shape_cast %swap3A_148 : vector<16xf32> to vector<16xf32>
    %swap3A_150 = vector.shape_cast %broadcast_in_dim3A_146 : vector<16xf32> to vector<16xf32>
    tpu.vector_store %arg9[%swap3A_147], %swap3A_150 {strides = array<i32>} : memref<512xf32, #tpu.memory_space<vmem>>, vector<16xf32>,
    %broadcast_in_dim3A_151 = arith.constant 0.000000e+00 : f32
    %broadcast_in_dim3A_152 = vector.broadcast %broadcast_in_dim3A_151 : f32 to vector<16xf32>
    %swap3A_153 = arith.constant 400 : index
    %swap3A_154 = tpu.vector_load %arg9[%swap3A_153] {strides = array<i32>} : memref<512xf32, #tpu.memory_space<vmem>>, vector<16xf32>,
    %swap3A_155 = vector.shape_cast %swap3A_154 : vector<16xf32> to vector<16xf32>
    %swap3A_156 = vector.shape_cast %broadcast_in_dim3A_152 : vector<16xf32> to vector<16xf32>
    tpu.vector_store %arg9[%swap3A_153], %swap3A_156 {strides = array<i32>} : memref<512xf32, #tpu.memory_space<vmem>>, vector<16xf32>,
    %broadcast_in_dim3A_157 = arith.constant 0.000000e+00 : f32
    %broadcast_in_dim3A_158 = vector.broadcast %broadcast_in_dim3A_157 : f32 to vector<16xf32>
    %swap3A_159 = arith.constant 416 : index
    %swap3A_160 = tpu.vector_load %arg9[%swap3A_159] {strides = array<i32>} : memref<512xf32, #tpu.memory_space<vmem>>, vector<16xf32>,
    %swap3A_161 = vector.shape_cast %swap3A_160 : vector<16xf32> to vector<16xf32>
    %swap3A_162 = vector.shape_cast %broadcast_in_dim3A_158 : vector<16xf32> to vector<16xf32>
    tpu.vector_store %arg9[%swap3A_159], %swap3A_162 {strides = array<i32>} : memref<512xf32, #tpu.memory_space<vmem>>, vector<16xf32>,
    %broadcast_in_dim3A_163 = arith.constant 0.000000e+00 : f32
    %broadcast_in_dim3A_164 = vector.broadcast %broadcast_in_dim3A_163 : f32 to vector<16xf32>
    %swap3A_165 = arith.constant 432 : index
    %swap3A_166 = tpu.vector_load %arg9[%swap3A_165] {strides = array<i32>} : memref<512xf32, #tpu.memory_space<vmem>>, vector<16xf32>,
    %swap3A_167 = vector.shape_cast %swap3A_166 : vector<16xf32> to vector<16xf32>
    %swap3A_168 = vector.shape_cast %broadcast_in_dim3A_164 : vector<16xf32> to vector<16xf32>
    tpu.vector_store %arg9[%swap3A_165], %swap3A_168 {strides = array<i32>} : memref<512xf32, #tpu.memory_space<vmem>>, vector<16xf32>,
    %broadcast_in_dim3A_169 = arith.constant 0.000000e+00 : f32
    %broadcast_in_dim3A_170 = vector.broadcast %broadcast_in_dim3A_169 : f32 to vector<16xf32>
    %swap3A_171 = arith.constant 448 : index
    %swap3A_172 = tpu.vector_load %arg9[%swap3A_171] {strides = array<i32>} : memref<512xf32, #tpu.memory_space<vmem>>, vector<16xf32>,
    %swap3A_173 = vector.shape_cast %swap3A_172 : vector<16xf32> to vector<16xf32>
    %swap3A_174 = vector.shape_cast %broadcast_in_dim3A_170 : vector<16xf32> to vector<16xf32>
    tpu.vector_store %arg9[%swap3A_171], %swap3A_174 {strides = array<i32>} : memref<512xf32, #tpu.memory_space<vmem>>, vector<16xf32>,
    %broadcast_in_dim3A_175 = arith.constant 0.000000e+00 : f32
    %broadcast_in_dim3A_176 = vector.broadcast %broadcast_in_dim3A_175 : f32 to vector<16xf32>
    %swap3A_177 = arith.constant 464 : index
    %swap3A_178 = tpu.vector_load %arg9[%swap3A_177] {strides = array<i32>} : memref<512xf32, #tpu.memory_space<vmem>>, vector<16xf32>,
    %swap3A_179 = vector.shape_cast %swap3A_178 : vector<16xf32> to vector<16xf32>
    %swap3A_180 = vector.shape_cast %broadcast_in_dim3A_176 : vector<16xf32> to vector<16xf32>
    tpu.vector_store %arg9[%swap3A_177], %swap3A_180 {strides = array<i32>} : memref<512xf32, #tpu.memory_space<vmem>>, vector<16xf32>,
    %broadcast_in_dim3A_181 = arith.constant 0.000000e+00 : f32
    %broadcast_in_dim3A_182 = vector.broadcast %broadcast_in_dim3A_181 : f32 to vector<16xf32>
    %swap3A_183 = arith.constant 480 : index
    %swap3A_184 = tpu.vector_load %arg9[%swap3A_183] {strides = array<i32>} : memref<512xf32, #tpu.memory_space<vmem>>, vector<16xf32>,
    %swap3A_185 = vector.shape_cast %swap3A_184 : vector<16xf32> to vector<16xf32>
    %swap3A_186 = vector.shape_cast %broadcast_in_dim3A_182 : vector<16xf32> to vector<16xf32>
    tpu.vector_store %arg9[%swap3A_183], %swap3A_186 {strides = array<i32>} : memref<512xf32, #tpu.memory_space<vmem>>, vector<16xf32>,
    %broadcast_in_dim3A_187 = arith.constant 0.000000e+00 : f32
    %broadcast_in_dim3A_188 = vector.broadcast %broadcast_in_dim3A_187 : f32 to vector<16xf32>
    %swap3A_189 = arith.constant 496 : index
    %swap3A_190 = tpu.vector_load %arg9[%swap3A_189] {strides = array<i32>} : memref<512xf32, #tpu.memory_space<vmem>>, vector<16xf32>,
    %swap3A_191 = vector.shape_cast %swap3A_190 : vector<16xf32> to vector<16xf32>
    %swap3A_192 = vector.shape_cast %broadcast_in_dim3A_188 : vector<16xf32> to vector<16xf32>
    tpu.vector_store %arg9[%swap3A_189], %swap3A_192 {strides = array<i32>} : memref<512xf32, #tpu.memory_space<vmem>>, vector<16xf32>,
    %scan3A = arith.constant 0 : i32
    %scan3A_193 = arith.constant 0 : i32
    %scan3A_194 = arith.constant 26 : i32
    %scan3A_195 = arith.addi %scan3A_193, %scan3A_194 : i32
    %scan3A_196 = arith.constant 1 : i32
    scf.for %scan3A_456 = %scan3A_193 to %scan3A_195 step %scan3A_196  : i32 {
      %mul3A_457 = arith.constant 100000 : i32
      %mul3A_458 = arith.muli %scan3A_456, %mul3A_457 : i32
      %get3A_459 = arith.index_cast %scan3A_456 : i32 to index
      %get3A_460 = arith.constant 0 : index
      %get3A_461 = tpu.vector_load %arg6[%get3A_459, %get3A_460] {strides = array<i32>} : memref<26x512xi32, #tpu.memory_space<vmem>>, vector<1x16xi32>,
      %get3A_462 = vector.shape_cast %get3A_461 : vector<1x16xi32> to vector<16xi32>
      %add3A_463 = vector.broadcast %mul3A_458 : i32 to vector<16xi32>
      %add3A_464 = arith.addi %get3A_462, %add3A_463 : vector<16xi32>
      %swap3A_465 = arith.constant 0 : index
      %swap3A_466 = tpu.vector_load %arg7[%swap3A_465] {strides = array<i32>} : memref<512xi32, #tpu.memory_space<vmem>>, vector<16xi32>,
      %swap3A_467 = vector.shape_cast %swap3A_466 : vector<16xi32> to vector<16xi32>
      %swap3A_468 = vector.shape_cast %add3A_464 : vector<16xi32> to vector<16xi32>
      tpu.vector_store %arg7[%swap3A_465], %swap3A_468 {strides = array<i32>} : memref<512xi32, #tpu.memory_space<vmem>>, vector<16xi32>,
      %get3A_469 = arith.index_cast %scan3A_456 : i32 to index
      %get3A_470 = arith.constant 16 : index
      %get3A_471 = tpu.vector_load %arg6[%get3A_469, %get3A_470] {strides = array<i32>} : memref<26x512xi32, #tpu.memory_space<vmem>>, vector<1x16xi32>,
      %get3A_472 = vector.shape_cast %get3A_471 : vector<1x16xi32> to vector<16xi32>
      %add3A_473 = vector.broadcast %mul3A_458 : i32 to vector<16xi32>
      %add3A_474 = arith.addi %get3A_472, %add3A_473 : vector<16xi32>
      %swap3A_475 = arith.constant 16 : index
      %swap3A_476 = tpu.vector_load %arg7[%swap3A_475] {strides = array<i32>} : memref<512xi32, #tpu.memory_space<vmem>>, vector<16xi32>,
      %swap3A_477 = vector.shape_cast %swap3A_476 : vector<16xi32> to vector<16xi32>
      %swap3A_478 = vector.shape_cast %add3A_474 : vector<16xi32> to vector<16xi32>
      tpu.vector_store %arg7[%swap3A_475], %swap3A_478 {strides = array<i32>} : memref<512xi32, #tpu.memory_space<vmem>>, vector<16xi32>,
      %get3A_479 = arith.index_cast %scan3A_456 : i32 to index
      %get3A_480 = arith.constant 32 : index
      %get3A_481 = tpu.vector_load %arg6[%get3A_479, %get3A_480] {strides = array<i32>} : memref<26x512xi32, #tpu.memory_space<vmem>>, vector<1x16xi32>,
      %get3A_482 = vector.shape_cast %get3A_481 : vector<1x16xi32> to vector<16xi32>
      %add3A_483 = vector.broadcast %mul3A_458 : i32 to vector<16xi32>
      %add3A_484 = arith.addi %get3A_482, %add3A_483 : vector<16xi32>
      %swap3A_485 = arith.constant 32 : index
      %swap3A_486 = tpu.vector_load %arg7[%swap3A_485] {strides = array<i32>} : memref<512xi32, #tpu.memory_space<vmem>>, vector<16xi32>,
      %swap3A_487 = vector.shape_cast %swap3A_486 : vector<16xi32> to vector<16xi32>
      %swap3A_488 = vector.shape_cast %add3A_484 : vector<16xi32> to vector<16xi32>
      tpu.vector_store %arg7[%swap3A_485], %swap3A_488 {strides = array<i32>} : memref<512xi32, #tpu.memory_space<vmem>>, vector<16xi32>,
      %get3A_489 = arith.index_cast %scan3A_456 : i32 to index
      %get3A_490 = arith.constant 48 : index
      %get3A_491 = tpu.vector_load %arg6[%get3A_489, %get3A_490] {strides = array<i32>} : memref<26x512xi32, #tpu.memory_space<vmem>>, vector<1x16xi32>,
      %get3A_492 = vector.shape_cast %get3A_491 : vector<1x16xi32> to vector<16xi32>
      %add3A_493 = vector.broadcast %mul3A_458 : i32 to vector<16xi32>
      %add3A_494 = arith.addi %get3A_492, %add3A_493 : vector<16xi32>
      %swap3A_495 = arith.constant 48 : index
      %swap3A_496 = tpu.vector_load %arg7[%swap3A_495] {strides = array<i32>} : memref<512xi32, #tpu.memory_space<vmem>>, vector<16xi32>,
      %swap3A_497 = vector.shape_cast %swap3A_496 : vector<16xi32> to vector<16xi32>
      %swap3A_498 = vector.shape_cast %add3A_494 : vector<16xi32> to vector<16xi32>
      tpu.vector_store %arg7[%swap3A_495], %swap3A_498 {strides = array<i32>} : memref<512xi32, #tpu.memory_space<vmem>>, vector<16xi32>,
      %get3A_499 = arith.index_cast %scan3A_456 : i32 to index
      %get3A_500 = arith.constant 64 : index
      %get3A_501 = tpu.vector_load %arg6[%get3A_499, %get3A_500] {strides = array<i32>} : memref<26x512xi32, #tpu.memory_space<vmem>>, vector<1x16xi32>,
      %get3A_502 = vector.shape_cast %get3A_501 : vector<1x16xi32> to vector<16xi32>
      %add3A_503 = vector.broadcast %mul3A_458 : i32 to vector<16xi32>
      %add3A_504 = arith.addi %get3A_502, %add3A_503 : vector<16xi32>
      %swap3A_505 = arith.constant 64 : index
      %swap3A_506 = tpu.vector_load %arg7[%swap3A_505] {strides = array<i32>} : memref<512xi32, #tpu.memory_space<vmem>>, vector<16xi32>,
      %swap3A_507 = vector.shape_cast %swap3A_506 : vector<16xi32> to vector<16xi32>
      %swap3A_508 = vector.shape_cast %add3A_504 : vector<16xi32> to vector<16xi32>
      tpu.vector_store %arg7[%swap3A_505], %swap3A_508 {strides = array<i32>} : memref<512xi32, #tpu.memory_space<vmem>>, vector<16xi32>,
      %get3A_509 = arith.index_cast %scan3A_456 : i32 to index
      %get3A_510 = arith.constant 80 : index
      %get3A_511 = tpu.vector_load %arg6[%get3A_509, %get3A_510] {strides = array<i32>} : memref<26x512xi32, #tpu.memory_space<vmem>>, vector<1x16xi32>,
      %get3A_512 = vector.shape_cast %get3A_511 : vector<1x16xi32> to vector<16xi32>
      %add3A_513 = vector.broadcast %mul3A_458 : i32 to vector<16xi32>
      %add3A_514 = arith.addi %get3A_512, %add3A_513 : vector<16xi32>
      %swap3A_515 = arith.constant 80 : index
      %swap3A_516 = tpu.vector_load %arg7[%swap3A_515] {strides = array<i32>} : memref<512xi32, #tpu.memory_space<vmem>>, vector<16xi32>,
      %swap3A_517 = vector.shape_cast %swap3A_516 : vector<16xi32> to vector<16xi32>
      %swap3A_518 = vector.shape_cast %add3A_514 : vector<16xi32> to vector<16xi32>
      tpu.vector_store %arg7[%swap3A_515], %swap3A_518 {strides = array<i32>} : memref<512xi32, #tpu.memory_space<vmem>>, vector<16xi32>,
      %get3A_519 = arith.index_cast %scan3A_456 : i32 to index
      %get3A_520 = arith.constant 96 : index
      %get3A_521 = tpu.vector_load %arg6[%get3A_519, %get3A_520] {strides = array<i32>} : memref<26x512xi32, #tpu.memory_space<vmem>>, vector<1x16xi32>,
      %get3A_522 = vector.shape_cast %get3A_521 : vector<1x16xi32> to vector<16xi32>
      %add3A_523 = vector.broadcast %mul3A_458 : i32 to vector<16xi32>
      %add3A_524 = arith.addi %get3A_522, %add3A_523 : vector<16xi32>
      %swap3A_525 = arith.constant 96 : index
      %swap3A_526 = tpu.vector_load %arg7[%swap3A_525] {strides = array<i32>} : memref<512xi32, #tpu.memory_space<vmem>>, vector<16xi32>,
      %swap3A_527 = vector.shape_cast %swap3A_526 : vector<16xi32> to vector<16xi32>
      %swap3A_528 = vector.shape_cast %add3A_524 : vector<16xi32> to vector<16xi32>
      tpu.vector_store %arg7[%swap3A_525], %swap3A_528 {strides = array<i32>} : memref<512xi32, #tpu.memory_space<vmem>>, vector<16xi32>,
      %get3A_529 = arith.index_cast %scan3A_456 : i32 to index
      %get3A_530 = arith.constant 112 : index
      %get3A_531 = tpu.vector_load %arg6[%get3A_529, %get3A_530] {strides = array<i32>} : memref<26x512xi32, #tpu.memory_space<vmem>>, vector<1x16xi32>,
      %get3A_532 = vector.shape_cast %get3A_531 : vector<1x16xi32> to vector<16xi32>
      %add3A_533 = vector.broadcast %mul3A_458 : i32 to vector<16xi32>
      %add3A_534 = arith.addi %get3A_532, %add3A_533 : vector<16xi32>
      %swap3A_535 = arith.constant 112 : index
      %swap3A_536 = tpu.vector_load %arg7[%swap3A_535] {strides = array<i32>} : memref<512xi32, #tpu.memory_space<vmem>>, vector<16xi32>,
      %swap3A_537 = vector.shape_cast %swap3A_536 : vector<16xi32> to vector<16xi32>
      %swap3A_538 = vector.shape_cast %add3A_534 : vector<16xi32> to vector<16xi32>
      tpu.vector_store %arg7[%swap3A_535], %swap3A_538 {strides = array<i32>} : memref<512xi32, #tpu.memory_space<vmem>>, vector<16xi32>,
      %get3A_539 = arith.index_cast %scan3A_456 : i32 to index
      %get3A_540 = arith.constant 128 : index
      %get3A_541 = tpu.vector_load %arg6[%get3A_539, %get3A_540] {strides = array<i32>} : memref<26x512xi32, #tpu.memory_space<vmem>>, vector<1x16xi32>,
      %get3A_542 = vector.shape_cast %get3A_541 : vector<1x16xi32> to vector<16xi32>
      %add3A_543 = vector.broadcast %mul3A_458 : i32 to vector<16xi32>
      %add3A_544 = arith.addi %get3A_542, %add3A_543 : vector<16xi32>
      %swap3A_545 = arith.constant 128 : index
      %swap3A_546 = tpu.vector_load %arg7[%swap3A_545] {strides = array<i32>} : memref<512xi32, #tpu.memory_space<vmem>>, vector<16xi32>,
      %swap3A_547 = vector.shape_cast %swap3A_546 : vector<16xi32> to vector<16xi32>
      %swap3A_548 = vector.shape_cast %add3A_544 : vector<16xi32> to vector<16xi32>
      tpu.vector_store %arg7[%swap3A_545], %swap3A_548 {strides = array<i32>} : memref<512xi32, #tpu.memory_space<vmem>>, vector<16xi32>,
      %get3A_549 = arith.index_cast %scan3A_456 : i32 to index
      %get3A_550 = arith.constant 144 : index
      %get3A_551 = tpu.vector_load %arg6[%get3A_549, %get3A_550] {strides = array<i32>} : memref<26x512xi32, #tpu.memory_space<vmem>>, vector<1x16xi32>,
      %get3A_552 = vector.shape_cast %get3A_551 : vector<1x16xi32> to vector<16xi32>
      %add3A_553 = vector.broadcast %mul3A_458 : i32 to vector<16xi32>
      %add3A_554 = arith.addi %get3A_552, %add3A_553 : vector<16xi32>
      %swap3A_555 = arith.constant 144 : index
      %swap3A_556 = tpu.vector_load %arg7[%swap3A_555] {strides = array<i32>} : memref<512xi32, #tpu.memory_space<vmem>>, vector<16xi32>,
      %swap3A_557 = vector.shape_cast %swap3A_556 : vector<16xi32> to vector<16xi32>
      %swap3A_558 = vector.shape_cast %add3A_554 : vector<16xi32> to vector<16xi32>
      tpu.vector_store %arg7[%swap3A_555], %swap3A_558 {strides = array<i32>} : memref<512xi32, #tpu.memory_space<vmem>>, vector<16xi32>,
      %get3A_559 = arith.index_cast %scan3A_456 : i32 to index
      %get3A_560 = arith.constant 160 : index
      %get3A_561 = tpu.vector_load %arg6[%get3A_559, %get3A_560] {strides = array<i32>} : memref<26x512xi32, #tpu.memory_space<vmem>>, vector<1x16xi32>,
      %get3A_562 = vector.shape_cast %get3A_561 : vector<1x16xi32> to vector<16xi32>
      %add3A_563 = vector.broadcast %mul3A_458 : i32 to vector<16xi32>
      %add3A_564 = arith.addi %get3A_562, %add3A_563 : vector<16xi32>
      %swap3A_565 = arith.constant 160 : index
      %swap3A_566 = tpu.vector_load %arg7[%swap3A_565] {strides = array<i32>} : memref<512xi32, #tpu.memory_space<vmem>>, vector<16xi32>,
      %swap3A_567 = vector.shape_cast %swap3A_566 : vector<16xi32> to vector<16xi32>
      %swap3A_568 = vector.shape_cast %add3A_564 : vector<16xi32> to vector<16xi32>
      tpu.vector_store %arg7[%swap3A_565], %swap3A_568 {strides = array<i32>} : memref<512xi32, #tpu.memory_space<vmem>>, vector<16xi32>,
      %get3A_569 = arith.index_cast %scan3A_456 : i32 to index
      %get3A_570 = arith.constant 176 : index
      %get3A_571 = tpu.vector_load %arg6[%get3A_569, %get3A_570] {strides = array<i32>} : memref<26x512xi32, #tpu.memory_space<vmem>>, vector<1x16xi32>,
      %get3A_572 = vector.shape_cast %get3A_571 : vector<1x16xi32> to vector<16xi32>
      %add3A_573 = vector.broadcast %mul3A_458 : i32 to vector<16xi32>
      %add3A_574 = arith.addi %get3A_572, %add3A_573 : vector<16xi32>
      %swap3A_575 = arith.constant 176 : index
      %swap3A_576 = tpu.vector_load %arg7[%swap3A_575] {strides = array<i32>} : memref<512xi32, #tpu.memory_space<vmem>>, vector<16xi32>,
      %swap3A_577 = vector.shape_cast %swap3A_576 : vector<16xi32> to vector<16xi32>
      %swap3A_578 = vector.shape_cast %add3A_574 : vector<16xi32> to vector<16xi32>
      tpu.vector_store %arg7[%swap3A_575], %swap3A_578 {strides = array<i32>} : memref<512xi32, #tpu.memory_space<vmem>>, vector<16xi32>,
      %get3A_579 = arith.index_cast %scan3A_456 : i32 to index
      %get3A_580 = arith.constant 192 : index
      %get3A_581 = tpu.vector_load %arg6[%get3A_579, %get3A_580] {strides = array<i32>} : memref<26x512xi32, #tpu.memory_space<vmem>>, vector<1x16xi32>,
      %get3A_582 = vector.shape_cast %get3A_581 : vector<1x16xi32> to vector<16xi32>
      %add3A_583 = vector.broadcast %mul3A_458 : i32 to vector<16xi32>
      %add3A_584 = arith.addi %get3A_582, %add3A_583 : vector<16xi32>
      %swap3A_585 = arith.constant 192 : index
      %swap3A_586 = tpu.vector_load %arg7[%swap3A_585] {strides = array<i32>} : memref<512xi32, #tpu.memory_space<vmem>>, vector<16xi32>,
      %swap3A_587 = vector.shape_cast %swap3A_586 : vector<16xi32> to vector<16xi32>
      %swap3A_588 = vector.shape_cast %add3A_584 : vector<16xi32> to vector<16xi32>
      tpu.vector_store %arg7[%swap3A_585], %swap3A_588 {strides = array<i32>} : memref<512xi32, #tpu.memory_space<vmem>>, vector<16xi32>,
      %get3A_589 = arith.index_cast %scan3A_456 : i32 to index
      %get3A_590 = arith.constant 208 : index
      %get3A_591 = tpu.vector_load %arg6[%get3A_589, %get3A_590] {strides = array<i32>} : memref<26x512xi32, #tpu.memory_space<vmem>>, vector<1x16xi32>,
      %get3A_592 = vector.shape_cast %get3A_591 : vector<1x16xi32> to vector<16xi32>
      %add3A_593 = vector.broadcast %mul3A_458 : i32 to vector<16xi32>
      %add3A_594 = arith.addi %get3A_592, %add3A_593 : vector<16xi32>
      %swap3A_595 = arith.constant 208 : index
      %swap3A_596 = tpu.vector_load %arg7[%swap3A_595] {strides = array<i32>} : memref<512xi32, #tpu.memory_space<vmem>>, vector<16xi32>,
      %swap3A_597 = vector.shape_cast %swap3A_596 : vector<16xi32> to vector<16xi32>
      %swap3A_598 = vector.shape_cast %add3A_594 : vector<16xi32> to vector<16xi32>
      tpu.vector_store %arg7[%swap3A_595], %swap3A_598 {strides = array<i32>} : memref<512xi32, #tpu.memory_space<vmem>>, vector<16xi32>,
      %get3A_599 = arith.index_cast %scan3A_456 : i32 to index
      %get3A_600 = arith.constant 224 : index
      %get3A_601 = tpu.vector_load %arg6[%get3A_599, %get3A_600] {strides = array<i32>} : memref<26x512xi32, #tpu.memory_space<vmem>>, vector<1x16xi32>,
      %get3A_602 = vector.shape_cast %get3A_601 : vector<1x16xi32> to vector<16xi32>
      %add3A_603 = vector.broadcast %mul3A_458 : i32 to vector<16xi32>
      %add3A_604 = arith.addi %get3A_602, %add3A_603 : vector<16xi32>
      %swap3A_605 = arith.constant 224 : index
      %swap3A_606 = tpu.vector_load %arg7[%swap3A_605] {strides = array<i32>} : memref<512xi32, #tpu.memory_space<vmem>>, vector<16xi32>,
      %swap3A_607 = vector.shape_cast %swap3A_606 : vector<16xi32> to vector<16xi32>
      %swap3A_608 = vector.shape_cast %add3A_604 : vector<16xi32> to vector<16xi32>
      tpu.vector_store %arg7[%swap3A_605], %swap3A_608 {strides = array<i32>} : memref<512xi32, #tpu.memory_space<vmem>>, vector<16xi32>,
      %get3A_609 = arith.index_cast %scan3A_456 : i32 to index
      %get3A_610 = arith.constant 240 : index
      %get3A_611 = tpu.vector_load %arg6[%get3A_609, %get3A_610] {strides = array<i32>} : memref<26x512xi32, #tpu.memory_space<vmem>>, vector<1x16xi32>,
      %get3A_612 = vector.shape_cast %get3A_611 : vector<1x16xi32> to vector<16xi32>
      %add3A_613 = vector.broadcast %mul3A_458 : i32 to vector<16xi32>
      %add3A_614 = arith.addi %get3A_612, %add3A_613 : vector<16xi32>
      %swap3A_615 = arith.constant 240 : index
      %swap3A_616 = tpu.vector_load %arg7[%swap3A_615] {strides = array<i32>} : memref<512xi32, #tpu.memory_space<vmem>>, vector<16xi32>,
      %swap3A_617 = vector.shape_cast %swap3A_616 : vector<16xi32> to vector<16xi32>
      %swap3A_618 = vector.shape_cast %add3A_614 : vector<16xi32> to vector<16xi32>
      tpu.vector_store %arg7[%swap3A_615], %swap3A_618 {strides = array<i32>} : memref<512xi32, #tpu.memory_space<vmem>>, vector<16xi32>,
      %get3A_619 = arith.index_cast %scan3A_456 : i32 to index
      %get3A_620 = arith.constant 256 : index
      %get3A_621 = tpu.vector_load %arg6[%get3A_619, %get3A_620] {strides = array<i32>} : memref<26x512xi32, #tpu.memory_space<vmem>>, vector<1x16xi32>,
      %get3A_622 = vector.shape_cast %get3A_621 : vector<1x16xi32> to vector<16xi32>
      %add3A_623 = vector.broadcast %mul3A_458 : i32 to vector<16xi32>
      %add3A_624 = arith.addi %get3A_622, %add3A_623 : vector<16xi32>
      %swap3A_625 = arith.constant 256 : index
      %swap3A_626 = tpu.vector_load %arg7[%swap3A_625] {strides = array<i32>} : memref<512xi32, #tpu.memory_space<vmem>>, vector<16xi32>,
      %swap3A_627 = vector.shape_cast %swap3A_626 : vector<16xi32> to vector<16xi32>
      %swap3A_628 = vector.shape_cast %add3A_624 : vector<16xi32> to vector<16xi32>
      tpu.vector_store %arg7[%swap3A_625], %swap3A_628 {strides = array<i32>} : memref<512xi32, #tpu.memory_space<vmem>>, vector<16xi32>,
      %get3A_629 = arith.index_cast %scan3A_456 : i32 to index
      %get3A_630 = arith.constant 272 : index
      %get3A_631 = tpu.vector_load %arg6[%get3A_629, %get3A_630] {strides = array<i32>} : memref<26x512xi32, #tpu.memory_space<vmem>>, vector<1x16xi32>,
      %get3A_632 = vector.shape_cast %get3A_631 : vector<1x16xi32> to vector<16xi32>
      %add3A_633 = vector.broadcast %mul3A_458 : i32 to vector<16xi32>
      %add3A_634 = arith.addi %get3A_632, %add3A_633 : vector<16xi32>
      %swap3A_635 = arith.constant 272 : index
      %swap3A_636 = tpu.vector_load %arg7[%swap3A_635] {strides = array<i32>} : memref<512xi32, #tpu.memory_space<vmem>>, vector<16xi32>,
      %swap3A_637 = vector.shape_cast %swap3A_636 : vector<16xi32> to vector<16xi32>
      %swap3A_638 = vector.shape_cast %add3A_634 : vector<16xi32> to vector<16xi32>
      tpu.vector_store %arg7[%swap3A_635], %swap3A_638 {strides = array<i32>} : memref<512xi32, #tpu.memory_space<vmem>>, vector<16xi32>,
      %get3A_639 = arith.index_cast %scan3A_456 : i32 to index
      %get3A_640 = arith.constant 288 : index
      %get3A_641 = tpu.vector_load %arg6[%get3A_639, %get3A_640] {strides = array<i32>} : memref<26x512xi32, #tpu.memory_space<vmem>>, vector<1x16xi32>,
      %get3A_642 = vector.shape_cast %get3A_641 : vector<1x16xi32> to vector<16xi32>
      %add3A_643 = vector.broadcast %mul3A_458 : i32 to vector<16xi32>
      %add3A_644 = arith.addi %get3A_642, %add3A_643 : vector<16xi32>
      %swap3A_645 = arith.constant 288 : index
      %swap3A_646 = tpu.vector_load %arg7[%swap3A_645] {strides = array<i32>} : memref<512xi32, #tpu.memory_space<vmem>>, vector<16xi32>,
      %swap3A_647 = vector.shape_cast %swap3A_646 : vector<16xi32> to vector<16xi32>
      %swap3A_648 = vector.shape_cast %add3A_644 : vector<16xi32> to vector<16xi32>
      tpu.vector_store %arg7[%swap3A_645], %swap3A_648 {strides = array<i32>} : memref<512xi32, #tpu.memory_space<vmem>>, vector<16xi32>,
      %get3A_649 = arith.index_cast %scan3A_456 : i32 to index
      %get3A_650 = arith.constant 304 : index
      %get3A_651 = tpu.vector_load %arg6[%get3A_649, %get3A_650] {strides = array<i32>} : memref<26x512xi32, #tpu.memory_space<vmem>>, vector<1x16xi32>,
      %get3A_652 = vector.shape_cast %get3A_651 : vector<1x16xi32> to vector<16xi32>
      %add3A_653 = vector.broadcast %mul3A_458 : i32 to vector<16xi32>
      %add3A_654 = arith.addi %get3A_652, %add3A_653 : vector<16xi32>
      %swap3A_655 = arith.constant 304 : index
      %swap3A_656 = tpu.vector_load %arg7[%swap3A_655] {strides = array<i32>} : memref<512xi32, #tpu.memory_space<vmem>>, vector<16xi32>,
      %swap3A_657 = vector.shape_cast %swap3A_656 : vector<16xi32> to vector<16xi32>
      %swap3A_658 = vector.shape_cast %add3A_654 : vector<16xi32> to vector<16xi32>
      tpu.vector_store %arg7[%swap3A_655], %swap3A_658 {strides = array<i32>} : memref<512xi32, #tpu.memory_space<vmem>>, vector<16xi32>,
      %get3A_659 = arith.index_cast %scan3A_456 : i32 to index
      %get3A_660 = arith.constant 320 : index
      %get3A_661 = tpu.vector_load %arg6[%get3A_659, %get3A_660] {strides = array<i32>} : memref<26x512xi32, #tpu.memory_space<vmem>>, vector<1x16xi32>,
      %get3A_662 = vector.shape_cast %get3A_661 : vector<1x16xi32> to vector<16xi32>
      %add3A_663 = vector.broadcast %mul3A_458 : i32 to vector<16xi32>
      %add3A_664 = arith.addi %get3A_662, %add3A_663 : vector<16xi32>
      %swap3A_665 = arith.constant 320 : index
      %swap3A_666 = tpu.vector_load %arg7[%swap3A_665] {strides = array<i32>} : memref<512xi32, #tpu.memory_space<vmem>>, vector<16xi32>,
      %swap3A_667 = vector.shape_cast %swap3A_666 : vector<16xi32> to vector<16xi32>
      %swap3A_668 = vector.shape_cast %add3A_664 : vector<16xi32> to vector<16xi32>
      tpu.vector_store %arg7[%swap3A_665], %swap3A_668 {strides = array<i32>} : memref<512xi32, #tpu.memory_space<vmem>>, vector<16xi32>,
      %get3A_669 = arith.index_cast %scan3A_456 : i32 to index
      %get3A_670 = arith.constant 336 : index
      %get3A_671 = tpu.vector_load %arg6[%get3A_669, %get3A_670] {strides = array<i32>} : memref<26x512xi32, #tpu.memory_space<vmem>>, vector<1x16xi32>,
      %get3A_672 = vector.shape_cast %get3A_671 : vector<1x16xi32> to vector<16xi32>
      %add3A_673 = vector.broadcast %mul3A_458 : i32 to vector<16xi32>
      %add3A_674 = arith.addi %get3A_672, %add3A_673 : vector<16xi32>
      %swap3A_675 = arith.constant 336 : index
      %swap3A_676 = tpu.vector_load %arg7[%swap3A_675] {strides = array<i32>} : memref<512xi32, #tpu.memory_space<vmem>>, vector<16xi32>,
      %swap3A_677 = vector.shape_cast %swap3A_676 : vector<16xi32> to vector<16xi32>
      %swap3A_678 = vector.shape_cast %add3A_674 : vector<16xi32> to vector<16xi32>
      tpu.vector_store %arg7[%swap3A_675], %swap3A_678 {strides = array<i32>} : memref<512xi32, #tpu.memory_space<vmem>>, vector<16xi32>,
      %get3A_679 = arith.index_cast %scan3A_456 : i32 to index
      %get3A_680 = arith.constant 352 : index
      %get3A_681 = tpu.vector_load %arg6[%get3A_679, %get3A_680] {strides = array<i32>} : memref<26x512xi32, #tpu.memory_space<vmem>>, vector<1x16xi32>,
      %get3A_682 = vector.shape_cast %get3A_681 : vector<1x16xi32> to vector<16xi32>
      %add3A_683 = vector.broadcast %mul3A_458 : i32 to vector<16xi32>
      %add3A_684 = arith.addi %get3A_682, %add3A_683 : vector<16xi32>
      %swap3A_685 = arith.constant 352 : index
      %swap3A_686 = tpu.vector_load %arg7[%swap3A_685] {strides = array<i32>} : memref<512xi32, #tpu.memory_space<vmem>>, vector<16xi32>,
      %swap3A_687 = vector.shape_cast %swap3A_686 : vector<16xi32> to vector<16xi32>
      %swap3A_688 = vector.shape_cast %add3A_684 : vector<16xi32> to vector<16xi32>
      tpu.vector_store %arg7[%swap3A_685], %swap3A_688 {strides = array<i32>} : memref<512xi32, #tpu.memory_space<vmem>>, vector<16xi32>,
      %get3A_689 = arith.index_cast %scan3A_456 : i32 to index
      %get3A_690 = arith.constant 368 : index
      %get3A_691 = tpu.vector_load %arg6[%get3A_689, %get3A_690] {strides = array<i32>} : memref<26x512xi32, #tpu.memory_space<vmem>>, vector<1x16xi32>,
      %get3A_692 = vector.shape_cast %get3A_691 : vector<1x16xi32> to vector<16xi32>
      %add3A_693 = vector.broadcast %mul3A_458 : i32 to vector<16xi32>
      %add3A_694 = arith.addi %get3A_692, %add3A_693 : vector<16xi32>
      %swap3A_695 = arith.constant 368 : index
      %swap3A_696 = tpu.vector_load %arg7[%swap3A_695] {strides = array<i32>} : memref<512xi32, #tpu.memory_space<vmem>>, vector<16xi32>,
      %swap3A_697 = vector.shape_cast %swap3A_696 : vector<16xi32> to vector<16xi32>
      %swap3A_698 = vector.shape_cast %add3A_694 : vector<16xi32> to vector<16xi32>
      tpu.vector_store %arg7[%swap3A_695], %swap3A_698 {strides = array<i32>} : memref<512xi32, #tpu.memory_space<vmem>>, vector<16xi32>,
      %get3A_699 = arith.index_cast %scan3A_456 : i32 to index
      %get3A_700 = arith.constant 384 : index
      %get3A_701 = tpu.vector_load %arg6[%get3A_699, %get3A_700] {strides = array<i32>} : memref<26x512xi32, #tpu.memory_space<vmem>>, vector<1x16xi32>,
      %get3A_702 = vector.shape_cast %get3A_701 : vector<1x16xi32> to vector<16xi32>
      %add3A_703 = vector.broadcast %mul3A_458 : i32 to vector<16xi32>
      %add3A_704 = arith.addi %get3A_702, %add3A_703 : vector<16xi32>
      %swap3A_705 = arith.constant 384 : index
      %swap3A_706 = tpu.vector_load %arg7[%swap3A_705] {strides = array<i32>} : memref<512xi32, #tpu.memory_space<vmem>>, vector<16xi32>,
      %swap3A_707 = vector.shape_cast %swap3A_706 : vector<16xi32> to vector<16xi32>
      %swap3A_708 = vector.shape_cast %add3A_704 : vector<16xi32> to vector<16xi32>
      tpu.vector_store %arg7[%swap3A_705], %swap3A_708 {strides = array<i32>} : memref<512xi32, #tpu.memory_space<vmem>>, vector<16xi32>,
      %get3A_709 = arith.index_cast %scan3A_456 : i32 to index
      %get3A_710 = arith.constant 400 : index
      %get3A_711 = tpu.vector_load %arg6[%get3A_709, %get3A_710] {strides = array<i32>} : memref<26x512xi32, #tpu.memory_space<vmem>>, vector<1x16xi32>,
      %get3A_712 = vector.shape_cast %get3A_711 : vector<1x16xi32> to vector<16xi32>
      %add3A_713 = vector.broadcast %mul3A_458 : i32 to vector<16xi32>
      %add3A_714 = arith.addi %get3A_712, %add3A_713 : vector<16xi32>
      %swap3A_715 = arith.constant 400 : index
      %swap3A_716 = tpu.vector_load %arg7[%swap3A_715] {strides = array<i32>} : memref<512xi32, #tpu.memory_space<vmem>>, vector<16xi32>,
      %swap3A_717 = vector.shape_cast %swap3A_716 : vector<16xi32> to vector<16xi32>
      %swap3A_718 = vector.shape_cast %add3A_714 : vector<16xi32> to vector<16xi32>
      tpu.vector_store %arg7[%swap3A_715], %swap3A_718 {strides = array<i32>} : memref<512xi32, #tpu.memory_space<vmem>>, vector<16xi32>,
      %get3A_719 = arith.index_cast %scan3A_456 : i32 to index
      %get3A_720 = arith.constant 416 : index
      %get3A_721 = tpu.vector_load %arg6[%get3A_719, %get3A_720] {strides = array<i32>} : memref<26x512xi32, #tpu.memory_space<vmem>>, vector<1x16xi32>,
      %get3A_722 = vector.shape_cast %get3A_721 : vector<1x16xi32> to vector<16xi32>
      %add3A_723 = vector.broadcast %mul3A_458 : i32 to vector<16xi32>
      %add3A_724 = arith.addi %get3A_722, %add3A_723 : vector<16xi32>
      %swap3A_725 = arith.constant 416 : index
      %swap3A_726 = tpu.vector_load %arg7[%swap3A_725] {strides = array<i32>} : memref<512xi32, #tpu.memory_space<vmem>>, vector<16xi32>,
      %swap3A_727 = vector.shape_cast %swap3A_726 : vector<16xi32> to vector<16xi32>
      %swap3A_728 = vector.shape_cast %add3A_724 : vector<16xi32> to vector<16xi32>
      tpu.vector_store %arg7[%swap3A_725], %swap3A_728 {strides = array<i32>} : memref<512xi32, #tpu.memory_space<vmem>>, vector<16xi32>,
      %get3A_729 = arith.index_cast %scan3A_456 : i32 to index
      %get3A_730 = arith.constant 432 : index
      %get3A_731 = tpu.vector_load %arg6[%get3A_729, %get3A_730] {strides = array<i32>} : memref<26x512xi32, #tpu.memory_space<vmem>>, vector<1x16xi32>,
      %get3A_732 = vector.shape_cast %get3A_731 : vector<1x16xi32> to vector<16xi32>
      %add3A_733 = vector.broadcast %mul3A_458 : i32 to vector<16xi32>
      %add3A_734 = arith.addi %get3A_732, %add3A_733 : vector<16xi32>
      %swap3A_735 = arith.constant 432 : index
      %swap3A_736 = tpu.vector_load %arg7[%swap3A_735] {strides = array<i32>} : memref<512xi32, #tpu.memory_space<vmem>>, vector<16xi32>,
      %swap3A_737 = vector.shape_cast %swap3A_736 : vector<16xi32> to vector<16xi32>
      %swap3A_738 = vector.shape_cast %add3A_734 : vector<16xi32> to vector<16xi32>
      tpu.vector_store %arg7[%swap3A_735], %swap3A_738 {strides = array<i32>} : memref<512xi32, #tpu.memory_space<vmem>>, vector<16xi32>,
      %get3A_739 = arith.index_cast %scan3A_456 : i32 to index
      %get3A_740 = arith.constant 448 : index
      %get3A_741 = tpu.vector_load %arg6[%get3A_739, %get3A_740] {strides = array<i32>} : memref<26x512xi32, #tpu.memory_space<vmem>>, vector<1x16xi32>,
      %get3A_742 = vector.shape_cast %get3A_741 : vector<1x16xi32> to vector<16xi32>
      %add3A_743 = vector.broadcast %mul3A_458 : i32 to vector<16xi32>
      %add3A_744 = arith.addi %get3A_742, %add3A_743 : vector<16xi32>
      %swap3A_745 = arith.constant 448 : index
      %swap3A_746 = tpu.vector_load %arg7[%swap3A_745] {strides = array<i32>} : memref<512xi32, #tpu.memory_space<vmem>>, vector<16xi32>,
      %swap3A_747 = vector.shape_cast %swap3A_746 : vector<16xi32> to vector<16xi32>
      %swap3A_748 = vector.shape_cast %add3A_744 : vector<16xi32> to vector<16xi32>
      tpu.vector_store %arg7[%swap3A_745], %swap3A_748 {strides = array<i32>} : memref<512xi32, #tpu.memory_space<vmem>>, vector<16xi32>,
      %get3A_749 = arith.index_cast %scan3A_456 : i32 to index
      %get3A_750 = arith.constant 464 : index
      %get3A_751 = tpu.vector_load %arg6[%get3A_749, %get3A_750] {strides = array<i32>} : memref<26x512xi32, #tpu.memory_space<vmem>>, vector<1x16xi32>,
      %get3A_752 = vector.shape_cast %get3A_751 : vector<1x16xi32> to vector<16xi32>
      %add3A_753 = vector.broadcast %mul3A_458 : i32 to vector<16xi32>
      %add3A_754 = arith.addi %get3A_752, %add3A_753 : vector<16xi32>
      %swap3A_755 = arith.constant 464 : index
      %swap3A_756 = tpu.vector_load %arg7[%swap3A_755] {strides = array<i32>} : memref<512xi32, #tpu.memory_space<vmem>>, vector<16xi32>,
      %swap3A_757 = vector.shape_cast %swap3A_756 : vector<16xi32> to vector<16xi32>
      %swap3A_758 = vector.shape_cast %add3A_754 : vector<16xi32> to vector<16xi32>
      tpu.vector_store %arg7[%swap3A_755], %swap3A_758 {strides = array<i32>} : memref<512xi32, #tpu.memory_space<vmem>>, vector<16xi32>,
      %get3A_759 = arith.index_cast %scan3A_456 : i32 to index
      %get3A_760 = arith.constant 480 : index
      %get3A_761 = tpu.vector_load %arg6[%get3A_759, %get3A_760] {strides = array<i32>} : memref<26x512xi32, #tpu.memory_space<vmem>>, vector<1x16xi32>,
      %get3A_762 = vector.shape_cast %get3A_761 : vector<1x16xi32> to vector<16xi32>
      %add3A_763 = vector.broadcast %mul3A_458 : i32 to vector<16xi32>
      %add3A_764 = arith.addi %get3A_762, %add3A_763 : vector<16xi32>
      %swap3A_765 = arith.constant 480 : index
      %swap3A_766 = tpu.vector_load %arg7[%swap3A_765] {strides = array<i32>} : memref<512xi32, #tpu.memory_space<vmem>>, vector<16xi32>,
      %swap3A_767 = vector.shape_cast %swap3A_766 : vector<16xi32> to vector<16xi32>
      %swap3A_768 = vector.shape_cast %add3A_764 : vector<16xi32> to vector<16xi32>
      tpu.vector_store %arg7[%swap3A_765], %swap3A_768 {strides = array<i32>} : memref<512xi32, #tpu.memory_space<vmem>>, vector<16xi32>,
      %get3A_769 = arith.index_cast %scan3A_456 : i32 to index
      %get3A_770 = arith.constant 496 : index
      %get3A_771 = tpu.vector_load %arg6[%get3A_769, %get3A_770] {strides = array<i32>} : memref<26x512xi32, #tpu.memory_space<vmem>>, vector<1x16xi32>,
      %get3A_772 = vector.shape_cast %get3A_771 : vector<1x16xi32> to vector<16xi32>
      %add3A_773 = vector.broadcast %mul3A_458 : i32 to vector<16xi32>
      %add3A_774 = arith.addi %get3A_772, %add3A_773 : vector<16xi32>
      %swap3A_775 = arith.constant 496 : index
      %swap3A_776 = tpu.vector_load %arg7[%swap3A_775] {strides = array<i32>} : memref<512xi32, #tpu.memory_space<vmem>>, vector<16xi32>,
      %swap3A_777 = vector.shape_cast %swap3A_776 : vector<16xi32> to vector<16xi32>
      %swap3A_778 = vector.shape_cast %add3A_774 : vector<16xi32> to vector<16xi32>
      tpu.vector_store %arg7[%swap3A_775], %swap3A_778 {strides = array<i32>} : memref<512xi32, #tpu.memory_space<vmem>>, vector<16xi32>,
      %dma_start3A = arith.constant 0 : i32
      %dma_start3A_779 = tpu.memref_slice %arg8[%dma_start3A] : memref<512xf32, #tpu.memory_space<vmem>> -> memref<128xf32, #tpu.memory_space<vmem>>
      %dma_start3A_780 = arith.constant 0 : i32
      %dma_start3A_781 = tpu.memref_slice %arg7[%dma_start3A_780] : memref<512xi32, #tpu.memory_space<vmem>> -> memref<128xi32, #tpu.memory_space<vmem>>
      %dma_start3A_782 = arith.constant 0 : i32
      %dma_start3A_783 = tpu.memref_slice %arg3[%dma_start3A_782] : memref<2600000xf32, #tpu.memory_space<hbm>> -> memref<2600000xf32, #tpu.memory_space<hbm>>
      tpu.enqueue_indirect_dma source(%dma_start3A_783 : memref<2600000xf32, #tpu.memory_space<hbm>>) target(%dma_start3A_779 : memref<128xf32, #tpu.memory_space<vmem>>) offsets(%dma_start3A_781 : memref<128xi32, #tpu.memory_space<vmem>>) semaphore(%arg11 : memref<!tpu.dma_semaphore, #tpu.memory_space<semaphore_mem>>)
      %dma_start3A_784 = arith.constant 128 : i32
      %dma_start3A_785 = tpu.memref_slice %arg8[%dma_start3A_784] : memref<512xf32, #tpu.memory_space<vmem>> -> memref<128xf32, #tpu.memory_space<vmem>>
      %dma_start3A_786 = arith.constant 128 : i32
      %dma_start3A_787 = tpu.memref_slice %arg7[%dma_start3A_786] : memref<512xi32, #tpu.memory_space<vmem>> -> memref<128xi32, #tpu.memory_space<vmem>>
      %dma_start3A_788 = arith.constant 0 : i32
      %dma_start3A_789 = tpu.memref_slice %arg3[%dma_start3A_788] : memref<2600000xf32, #tpu.memory_space<hbm>> -> memref<2600000xf32, #tpu.memory_space<hbm>>
      tpu.enqueue_indirect_dma source(%dma_start3A_789 : memref<2600000xf32, #tpu.memory_space<hbm>>) target(%dma_start3A_785 : memref<128xf32, #tpu.memory_space<vmem>>) offsets(%dma_start3A_787 : memref<128xi32, #tpu.memory_space<vmem>>) semaphore(%arg11 : memref<!tpu.dma_semaphore, #tpu.memory_space<semaphore_mem>>)
      %dma_start3A_790 = arith.constant 256 : i32
      %dma_start3A_791 = tpu.memref_slice %arg8[%dma_start3A_790] : memref<512xf32, #tpu.memory_space<vmem>> -> memref<128xf32, #tpu.memory_space<vmem>>
      %dma_start3A_792 = arith.constant 256 : i32
      %dma_start3A_793 = tpu.memref_slice %arg7[%dma_start3A_792] : memref<512xi32, #tpu.memory_space<vmem>> -> memref<128xi32, #tpu.memory_space<vmem>>
      %dma_start3A_794 = arith.constant 0 : i32
      %dma_start3A_795 = tpu.memref_slice %arg3[%dma_start3A_794] : memref<2600000xf32, #tpu.memory_space<hbm>> -> memref<2600000xf32, #tpu.memory_space<hbm>>
      tpu.enqueue_indirect_dma source(%dma_start3A_795 : memref<2600000xf32, #tpu.memory_space<hbm>>) target(%dma_start3A_791 : memref<128xf32, #tpu.memory_space<vmem>>) offsets(%dma_start3A_793 : memref<128xi32, #tpu.memory_space<vmem>>) semaphore(%arg11 : memref<!tpu.dma_semaphore, #tpu.memory_space<semaphore_mem>>)
      %dma_start3A_796 = arith.constant 384 : i32
      %dma_start3A_797 = tpu.memref_slice %arg8[%dma_start3A_796] : memref<512xf32, #tpu.memory_space<vmem>> -> memref<128xf32, #tpu.memory_space<vmem>>
      %dma_start3A_798 = arith.constant 384 : i32
      %dma_start3A_799 = tpu.memref_slice %arg7[%dma_start3A_798] : memref<512xi32, #tpu.memory_space<vmem>> -> memref<128xi32, #tpu.memory_space<vmem>>
      %dma_start3A_800 = arith.constant 0 : i32
      %dma_start3A_801 = tpu.memref_slice %arg3[%dma_start3A_800] : memref<2600000xf32, #tpu.memory_space<hbm>> -> memref<2600000xf32, #tpu.memory_space<hbm>>
      tpu.enqueue_indirect_dma source(%dma_start3A_801 : memref<2600000xf32, #tpu.memory_space<hbm>>) target(%dma_start3A_797 : memref<128xf32, #tpu.memory_space<vmem>>) offsets(%dma_start3A_799 : memref<128xi32, #tpu.memory_space<vmem>>) semaphore(%arg11 : memref<!tpu.dma_semaphore, #tpu.memory_space<semaphore_mem>>)
      %dma_wait3A = arith.constant 0 : i32
      %dma_wait3A_802 = tpu.memref_slice %arg8[%dma_wait3A] : memref<512xf32, #tpu.memory_space<vmem>> -> memref<128xf32, #tpu.memory_space<vmem>>
      %dma_wait3A_803 = arith.constant 0 : i32
      %dma_wait3A_804 = tpu.memref_slice %arg7[%dma_wait3A_803] : memref<512xi32, #tpu.memory_space<vmem>> -> memref<128xi32, #tpu.memory_space<vmem>>
      %dma_wait3A_805 = arith.constant 0 : i32
      %dma_wait3A_806 = tpu.memref_slice %arg3[%dma_wait3A_805] : memref<2600000xf32, #tpu.memory_space<hbm>> -> memref<2600000xf32, #tpu.memory_space<hbm>>
      tpu.wait_indirect_dma semaphore(%arg11 : memref<!tpu.dma_semaphore, #tpu.memory_space<semaphore_mem>>) src(%dma_wait3A_806 : memref<2600000xf32, #tpu.memory_space<hbm>>) dst(%dma_wait3A_802 : memref<128xf32, #tpu.memory_space<vmem>>)
      %dma_wait3A_807 = arith.constant 128 : i32
      %dma_wait3A_808 = tpu.memref_slice %arg8[%dma_wait3A_807] : memref<512xf32, #tpu.memory_space<vmem>> -> memref<128xf32, #tpu.memory_space<vmem>>
      %dma_wait3A_809 = arith.constant 128 : i32
      %dma_wait3A_810 = tpu.memref_slice %arg7[%dma_wait3A_809] : memref<512xi32, #tpu.memory_space<vmem>> -> memref<128xi32, #tpu.memory_space<vmem>>
      %dma_wait3A_811 = arith.constant 0 : i32
      %dma_wait3A_812 = tpu.memref_slice %arg3[%dma_wait3A_811] : memref<2600000xf32, #tpu.memory_space<hbm>> -> memref<2600000xf32, #tpu.memory_space<hbm>>
      tpu.wait_indirect_dma semaphore(%arg11 : memref<!tpu.dma_semaphore, #tpu.memory_space<semaphore_mem>>) src(%dma_wait3A_812 : memref<2600000xf32, #tpu.memory_space<hbm>>) dst(%dma_wait3A_808 : memref<128xf32, #tpu.memory_space<vmem>>)
      %dma_wait3A_813 = arith.constant 256 : i32
      %dma_wait3A_814 = tpu.memref_slice %arg8[%dma_wait3A_813] : memref<512xf32, #tpu.memory_space<vmem>> -> memref<128xf32, #tpu.memory_space<vmem>>
      %dma_wait3A_815 = arith.constant 256 : i32
      %dma_wait3A_816 = tpu.memref_slice %arg7[%dma_wait3A_815] : memref<512xi32, #tpu.memory_space<vmem>> -> memref<128xi32, #tpu.memory_space<vmem>>
      %dma_wait3A_817 = arith.constant 0 : i32
      %dma_wait3A_818 = tpu.memref_slice %arg3[%dma_wait3A_817] : memref<2600000xf32, #tpu.memory_space<hbm>> -> memref<2600000xf32, #tpu.memory_space<hbm>>
      tpu.wait_indirect_dma semaphore(%arg11 : memref<!tpu.dma_semaphore, #tpu.memory_space<semaphore_mem>>) src(%dma_wait3A_818 : memref<2600000xf32, #tpu.memory_space<hbm>>) dst(%dma_wait3A_814 : memref<128xf32, #tpu.memory_space<vmem>>)
      %dma_wait3A_819 = arith.constant 384 : i32
      %dma_wait3A_820 = tpu.memref_slice %arg8[%dma_wait3A_819] : memref<512xf32, #tpu.memory_space<vmem>> -> memref<128xf32, #tpu.memory_space<vmem>>
      %dma_wait3A_821 = arith.constant 384 : i32
      %dma_wait3A_822 = tpu.memref_slice %arg7[%dma_wait3A_821] : memref<512xi32, #tpu.memory_space<vmem>> -> memref<128xi32, #tpu.memory_space<vmem>>
      %dma_wait3A_823 = arith.constant 0 : i32
      %dma_wait3A_824 = tpu.memref_slice %arg3[%dma_wait3A_823] : memref<2600000xf32, #tpu.memory_space<hbm>> -> memref<2600000xf32, #tpu.memory_space<hbm>>
      tpu.wait_indirect_dma semaphore(%arg11 : memref<!tpu.dma_semaphore, #tpu.memory_space<semaphore_mem>>) src(%dma_wait3A_824 : memref<2600000xf32, #tpu.memory_space<hbm>>) dst(%dma_wait3A_820 : memref<128xf32, #tpu.memory_space<vmem>>)
      %get3A_825 = arith.constant 0 : index
      %get3A_826 = tpu.vector_load %arg9[%get3A_825] {strides = array<i32>} : memref<512xf32, #tpu.memory_space<vmem>>, vector<16xf32>,
      %get3A_827 = vector.shape_cast %get3A_826 : vector<16xf32> to vector<16xf32>
      %get3A_828 = arith.constant 0 : index
      %get3A_829 = tpu.vector_load %arg8[%get3A_828] {strides = array<i32>} : memref<512xf32, #tpu.memory_space<vmem>>, vector<16xf32>,
      %get3A_830 = vector.shape_cast %get3A_829 : vector<16xf32> to vector<16xf32>
      %add3A_831 = arith.addf %get3A_827, %get3A_830 : vector<16xf32>
      %swap3A_832 = arith.constant 0 : index
      %swap3A_833 = tpu.vector_load %arg9[%swap3A_832] {strides = array<i32>} : memref<512xf32, #tpu.memory_space<vmem>>, vector<16xf32>,
      %swap3A_834 = vector.shape_cast %swap3A_833 : vector<16xf32> to vector<16xf32>
      %swap3A_835 = vector.shape_cast %add3A_831 : vector<16xf32> to vector<16xf32>
      tpu.vector_store %arg9[%swap3A_832], %swap3A_835 {strides = array<i32>} : memref<512xf32, #tpu.memory_space<vmem>>, vector<16xf32>,
      %get3A_836 = arith.constant 16 : index
      %get3A_837 = tpu.vector_load %arg9[%get3A_836] {strides = array<i32>} : memref<512xf32, #tpu.memory_space<vmem>>, vector<16xf32>,
      %get3A_838 = vector.shape_cast %get3A_837 : vector<16xf32> to vector<16xf32>
      %get3A_839 = arith.constant 16 : index
      %get3A_840 = tpu.vector_load %arg8[%get3A_839] {strides = array<i32>} : memref<512xf32, #tpu.memory_space<vmem>>, vector<16xf32>,
      %get3A_841 = vector.shape_cast %get3A_840 : vector<16xf32> to vector<16xf32>
      %add3A_842 = arith.addf %get3A_838, %get3A_841 : vector<16xf32>
      %swap3A_843 = arith.constant 16 : index
      %swap3A_844 = tpu.vector_load %arg9[%swap3A_843] {strides = array<i32>} : memref<512xf32, #tpu.memory_space<vmem>>, vector<16xf32>,
      %swap3A_845 = vector.shape_cast %swap3A_844 : vector<16xf32> to vector<16xf32>
      %swap3A_846 = vector.shape_cast %add3A_842 : vector<16xf32> to vector<16xf32>
      tpu.vector_store %arg9[%swap3A_843], %swap3A_846 {strides = array<i32>} : memref<512xf32, #tpu.memory_space<vmem>>, vector<16xf32>,
      %get3A_847 = arith.constant 32 : index
      %get3A_848 = tpu.vector_load %arg9[%get3A_847] {strides = array<i32>} : memref<512xf32, #tpu.memory_space<vmem>>, vector<16xf32>,
      %get3A_849 = vector.shape_cast %get3A_848 : vector<16xf32> to vector<16xf32>
      %get3A_850 = arith.constant 32 : index
      %get3A_851 = tpu.vector_load %arg8[%get3A_850] {strides = array<i32>} : memref<512xf32, #tpu.memory_space<vmem>>, vector<16xf32>,
      %get3A_852 = vector.shape_cast %get3A_851 : vector<16xf32> to vector<16xf32>
      %add3A_853 = arith.addf %get3A_849, %get3A_852 : vector<16xf32>
      %swap3A_854 = arith.constant 32 : index
      %swap3A_855 = tpu.vector_load %arg9[%swap3A_854] {strides = array<i32>} : memref<512xf32, #tpu.memory_space<vmem>>, vector<16xf32>,
      %swap3A_856 = vector.shape_cast %swap3A_855 : vector<16xf32> to vector<16xf32>
      %swap3A_857 = vector.shape_cast %add3A_853 : vector<16xf32> to vector<16xf32>
      tpu.vector_store %arg9[%swap3A_854], %swap3A_857 {strides = array<i32>} : memref<512xf32, #tpu.memory_space<vmem>>, vector<16xf32>,
      %get3A_858 = arith.constant 48 : index
      %get3A_859 = tpu.vector_load %arg9[%get3A_858] {strides = array<i32>} : memref<512xf32, #tpu.memory_space<vmem>>, vector<16xf32>,
      %get3A_860 = vector.shape_cast %get3A_859 : vector<16xf32> to vector<16xf32>
      %get3A_861 = arith.constant 48 : index
      %get3A_862 = tpu.vector_load %arg8[%get3A_861] {strides = array<i32>} : memref<512xf32, #tpu.memory_space<vmem>>, vector<16xf32>,
      %get3A_863 = vector.shape_cast %get3A_862 : vector<16xf32> to vector<16xf32>
      %add3A_864 = arith.addf %get3A_860, %get3A_863 : vector<16xf32>
      %swap3A_865 = arith.constant 48 : index
      %swap3A_866 = tpu.vector_load %arg9[%swap3A_865] {strides = array<i32>} : memref<512xf32, #tpu.memory_space<vmem>>, vector<16xf32>,
      %swap3A_867 = vector.shape_cast %swap3A_866 : vector<16xf32> to vector<16xf32>
      %swap3A_868 = vector.shape_cast %add3A_864 : vector<16xf32> to vector<16xf32>
      tpu.vector_store %arg9[%swap3A_865], %swap3A_868 {strides = array<i32>} : memref<512xf32, #tpu.memory_space<vmem>>, vector<16xf32>,
      %get3A_869 = arith.constant 64 : index
      %get3A_870 = tpu.vector_load %arg9[%get3A_869] {strides = array<i32>} : memref<512xf32, #tpu.memory_space<vmem>>, vector<16xf32>,
      %get3A_871 = vector.shape_cast %get3A_870 : vector<16xf32> to vector<16xf32>
      %get3A_872 = arith.constant 64 : index
      %get3A_873 = tpu.vector_load %arg8[%get3A_872] {strides = array<i32>} : memref<512xf32, #tpu.memory_space<vmem>>, vector<16xf32>,
      %get3A_874 = vector.shape_cast %get3A_873 : vector<16xf32> to vector<16xf32>
      %add3A_875 = arith.addf %get3A_871, %get3A_874 : vector<16xf32>
      %swap3A_876 = arith.constant 64 : index
      %swap3A_877 = tpu.vector_load %arg9[%swap3A_876] {strides = array<i32>} : memref<512xf32, #tpu.memory_space<vmem>>, vector<16xf32>,
      %swap3A_878 = vector.shape_cast %swap3A_877 : vector<16xf32> to vector<16xf32>
      %swap3A_879 = vector.shape_cast %add3A_875 : vector<16xf32> to vector<16xf32>
      tpu.vector_store %arg9[%swap3A_876], %swap3A_879 {strides = array<i32>} : memref<512xf32, #tpu.memory_space<vmem>>, vector<16xf32>,
      %get3A_880 = arith.constant 80 : index
      %get3A_881 = tpu.vector_load %arg9[%get3A_880] {strides = array<i32>} : memref<512xf32, #tpu.memory_space<vmem>>, vector<16xf32>,
      %get3A_882 = vector.shape_cast %get3A_881 : vector<16xf32> to vector<16xf32>
      %get3A_883 = arith.constant 80 : index
      %get3A_884 = tpu.vector_load %arg8[%get3A_883] {strides = array<i32>} : memref<512xf32, #tpu.memory_space<vmem>>, vector<16xf32>,
      %get3A_885 = vector.shape_cast %get3A_884 : vector<16xf32> to vector<16xf32>
      %add3A_886 = arith.addf %get3A_882, %get3A_885 : vector<16xf32>
      %swap3A_887 = arith.constant 80 : index
      %swap3A_888 = tpu.vector_load %arg9[%swap3A_887] {strides = array<i32>} : memref<512xf32, #tpu.memory_space<vmem>>, vector<16xf32>,
      %swap3A_889 = vector.shape_cast %swap3A_888 : vector<16xf32> to vector<16xf32>
      %swap3A_890 = vector.shape_cast %add3A_886 : vector<16xf32> to vector<16xf32>
      tpu.vector_store %arg9[%swap3A_887], %swap3A_890 {strides = array<i32>} : memref<512xf32, #tpu.memory_space<vmem>>, vector<16xf32>,
      %get3A_891 = arith.constant 96 : index
      %get3A_892 = tpu.vector_load %arg9[%get3A_891] {strides = array<i32>} : memref<512xf32, #tpu.memory_space<vmem>>, vector<16xf32>,
      %get3A_893 = vector.shape_cast %get3A_892 : vector<16xf32> to vector<16xf32>
      %get3A_894 = arith.constant 96 : index
      %get3A_895 = tpu.vector_load %arg8[%get3A_894] {strides = array<i32>} : memref<512xf32, #tpu.memory_space<vmem>>, vector<16xf32>,
      %get3A_896 = vector.shape_cast %get3A_895 : vector<16xf32> to vector<16xf32>
      %add3A_897 = arith.addf %get3A_893, %get3A_896 : vector<16xf32>
      %swap3A_898 = arith.constant 96 : index
      %swap3A_899 = tpu.vector_load %arg9[%swap3A_898] {strides = array<i32>} : memref<512xf32, #tpu.memory_space<vmem>>, vector<16xf32>,
      %swap3A_900 = vector.shape_cast %swap3A_899 : vector<16xf32> to vector<16xf32>
      %swap3A_901 = vector.shape_cast %add3A_897 : vector<16xf32> to vector<16xf32>
      tpu.vector_store %arg9[%swap3A_898], %swap3A_901 {strides = array<i32>} : memref<512xf32, #tpu.memory_space<vmem>>, vector<16xf32>,
      %get3A_902 = arith.constant 112 : index
      %get3A_903 = tpu.vector_load %arg9[%get3A_902] {strides = array<i32>} : memref<512xf32, #tpu.memory_space<vmem>>, vector<16xf32>,
      %get3A_904 = vector.shape_cast %get3A_903 : vector<16xf32> to vector<16xf32>
      %get3A_905 = arith.constant 112 : index
      %get3A_906 = tpu.vector_load %arg8[%get3A_905] {strides = array<i32>} : memref<512xf32, #tpu.memory_space<vmem>>, vector<16xf32>,
      %get3A_907 = vector.shape_cast %get3A_906 : vector<16xf32> to vector<16xf32>
      %add3A_908 = arith.addf %get3A_904, %get3A_907 : vector<16xf32>
      %swap3A_909 = arith.constant 112 : index
      %swap3A_910 = tpu.vector_load %arg9[%swap3A_909] {strides = array<i32>} : memref<512xf32, #tpu.memory_space<vmem>>, vector<16xf32>,
      %swap3A_911 = vector.shape_cast %swap3A_910 : vector<16xf32> to vector<16xf32>
      %swap3A_912 = vector.shape_cast %add3A_908 : vector<16xf32> to vector<16xf32>
      tpu.vector_store %arg9[%swap3A_909], %swap3A_912 {strides = array<i32>} : memref<512xf32, #tpu.memory_space<vmem>>, vector<16xf32>,
      %get3A_913 = arith.constant 128 : index
      %get3A_914 = tpu.vector_load %arg9[%get3A_913] {strides = array<i32>} : memref<512xf32, #tpu.memory_space<vmem>>, vector<16xf32>,
      %get3A_915 = vector.shape_cast %get3A_914 : vector<16xf32> to vector<16xf32>
      %get3A_916 = arith.constant 128 : index
      %get3A_917 = tpu.vector_load %arg8[%get3A_916] {strides = array<i32>} : memref<512xf32, #tpu.memory_space<vmem>>, vector<16xf32>,
      %get3A_918 = vector.shape_cast %get3A_917 : vector<16xf32> to vector<16xf32>
      %add3A_919 = arith.addf %get3A_915, %get3A_918 : vector<16xf32>
      %swap3A_920 = arith.constant 128 : index
      %swap3A_921 = tpu.vector_load %arg9[%swap3A_920] {strides = array<i32>} : memref<512xf32, #tpu.memory_space<vmem>>, vector<16xf32>,
      %swap3A_922 = vector.shape_cast %swap3A_921 : vector<16xf32> to vector<16xf32>
      %swap3A_923 = vector.shape_cast %add3A_919 : vector<16xf32> to vector<16xf32>
      tpu.vector_store %arg9[%swap3A_920], %swap3A_923 {strides = array<i32>} : memref<512xf32, #tpu.memory_space<vmem>>, vector<16xf32>,
      %get3A_924 = arith.constant 144 : index
      %get3A_925 = tpu.vector_load %arg9[%get3A_924] {strides = array<i32>} : memref<512xf32, #tpu.memory_space<vmem>>, vector<16xf32>,
      %get3A_926 = vector.shape_cast %get3A_925 : vector<16xf32> to vector<16xf32>
      %get3A_927 = arith.constant 144 : index
      %get3A_928 = tpu.vector_load %arg8[%get3A_927] {strides = array<i32>} : memref<512xf32, #tpu.memory_space<vmem>>, vector<16xf32>,
      %get3A_929 = vector.shape_cast %get3A_928 : vector<16xf32> to vector<16xf32>
      %add3A_930 = arith.addf %get3A_926, %get3A_929 : vector<16xf32>
      %swap3A_931 = arith.constant 144 : index
      %swap3A_932 = tpu.vector_load %arg9[%swap3A_931] {strides = array<i32>} : memref<512xf32, #tpu.memory_space<vmem>>, vector<16xf32>,
      %swap3A_933 = vector.shape_cast %swap3A_932 : vector<16xf32> to vector<16xf32>
      %swap3A_934 = vector.shape_cast %add3A_930 : vector<16xf32> to vector<16xf32>
      tpu.vector_store %arg9[%swap3A_931], %swap3A_934 {strides = array<i32>} : memref<512xf32, #tpu.memory_space<vmem>>, vector<16xf32>,
      %get3A_935 = arith.constant 160 : index
      %get3A_936 = tpu.vector_load %arg9[%get3A_935] {strides = array<i32>} : memref<512xf32, #tpu.memory_space<vmem>>, vector<16xf32>,
      %get3A_937 = vector.shape_cast %get3A_936 : vector<16xf32> to vector<16xf32>
      %get3A_938 = arith.constant 160 : index
      %get3A_939 = tpu.vector_load %arg8[%get3A_938] {strides = array<i32>} : memref<512xf32, #tpu.memory_space<vmem>>, vector<16xf32>,
      %get3A_940 = vector.shape_cast %get3A_939 : vector<16xf32> to vector<16xf32>
      %add3A_941 = arith.addf %get3A_937, %get3A_940 : vector<16xf32>
      %swap3A_942 = arith.constant 160 : index
      %swap3A_943 = tpu.vector_load %arg9[%swap3A_942] {strides = array<i32>} : memref<512xf32, #tpu.memory_space<vmem>>, vector<16xf32>,
      %swap3A_944 = vector.shape_cast %swap3A_943 : vector<16xf32> to vector<16xf32>
      %swap3A_945 = vector.shape_cast %add3A_941 : vector<16xf32> to vector<16xf32>
      tpu.vector_store %arg9[%swap3A_942], %swap3A_945 {strides = array<i32>} : memref<512xf32, #tpu.memory_space<vmem>>, vector<16xf32>,
      %get3A_946 = arith.constant 176 : index
      %get3A_947 = tpu.vector_load %arg9[%get3A_946] {strides = array<i32>} : memref<512xf32, #tpu.memory_space<vmem>>, vector<16xf32>,
      %get3A_948 = vector.shape_cast %get3A_947 : vector<16xf32> to vector<16xf32>
      %get3A_949 = arith.constant 176 : index
      %get3A_950 = tpu.vector_load %arg8[%get3A_949] {strides = array<i32>} : memref<512xf32, #tpu.memory_space<vmem>>, vector<16xf32>,
      %get3A_951 = vector.shape_cast %get3A_950 : vector<16xf32> to vector<16xf32>
      %add3A_952 = arith.addf %get3A_948, %get3A_951 : vector<16xf32>
      %swap3A_953 = arith.constant 176 : index
      %swap3A_954 = tpu.vector_load %arg9[%swap3A_953] {strides = array<i32>} : memref<512xf32, #tpu.memory_space<vmem>>, vector<16xf32>,
      %swap3A_955 = vector.shape_cast %swap3A_954 : vector<16xf32> to vector<16xf32>
      %swap3A_956 = vector.shape_cast %add3A_952 : vector<16xf32> to vector<16xf32>
      tpu.vector_store %arg9[%swap3A_953], %swap3A_956 {strides = array<i32>} : memref<512xf32, #tpu.memory_space<vmem>>, vector<16xf32>,
      %get3A_957 = arith.constant 192 : index
      %get3A_958 = tpu.vector_load %arg9[%get3A_957] {strides = array<i32>} : memref<512xf32, #tpu.memory_space<vmem>>, vector<16xf32>,
      %get3A_959 = vector.shape_cast %get3A_958 : vector<16xf32> to vector<16xf32>
      %get3A_960 = arith.constant 192 : index
      %get3A_961 = tpu.vector_load %arg8[%get3A_960] {strides = array<i32>} : memref<512xf32, #tpu.memory_space<vmem>>, vector<16xf32>,
      %get3A_962 = vector.shape_cast %get3A_961 : vector<16xf32> to vector<16xf32>
      %add3A_963 = arith.addf %get3A_959, %get3A_962 : vector<16xf32>
      %swap3A_964 = arith.constant 192 : index
      %swap3A_965 = tpu.vector_load %arg9[%swap3A_964] {strides = array<i32>} : memref<512xf32, #tpu.memory_space<vmem>>, vector<16xf32>,
      %swap3A_966 = vector.shape_cast %swap3A_965 : vector<16xf32> to vector<16xf32>
      %swap3A_967 = vector.shape_cast %add3A_963 : vector<16xf32> to vector<16xf32>
      tpu.vector_store %arg9[%swap3A_964], %swap3A_967 {strides = array<i32>} : memref<512xf32, #tpu.memory_space<vmem>>, vector<16xf32>,
      %get3A_968 = arith.constant 208 : index
      %get3A_969 = tpu.vector_load %arg9[%get3A_968] {strides = array<i32>} : memref<512xf32, #tpu.memory_space<vmem>>, vector<16xf32>,
      %get3A_970 = vector.shape_cast %get3A_969 : vector<16xf32> to vector<16xf32>
      %get3A_971 = arith.constant 208 : index
      %get3A_972 = tpu.vector_load %arg8[%get3A_971] {strides = array<i32>} : memref<512xf32, #tpu.memory_space<vmem>>, vector<16xf32>,
      %get3A_973 = vector.shape_cast %get3A_972 : vector<16xf32> to vector<16xf32>
      %add3A_974 = arith.addf %get3A_970, %get3A_973 : vector<16xf32>
      %swap3A_975 = arith.constant 208 : index
      %swap3A_976 = tpu.vector_load %arg9[%swap3A_975] {strides = array<i32>} : memref<512xf32, #tpu.memory_space<vmem>>, vector<16xf32>,
      %swap3A_977 = vector.shape_cast %swap3A_976 : vector<16xf32> to vector<16xf32>
      %swap3A_978 = vector.shape_cast %add3A_974 : vector<16xf32> to vector<16xf32>
      tpu.vector_store %arg9[%swap3A_975], %swap3A_978 {strides = array<i32>} : memref<512xf32, #tpu.memory_space<vmem>>, vector<16xf32>,
      %get3A_979 = arith.constant 224 : index
      %get3A_980 = tpu.vector_load %arg9[%get3A_979] {strides = array<i32>} : memref<512xf32, #tpu.memory_space<vmem>>, vector<16xf32>,
      %get3A_981 = vector.shape_cast %get3A_980 : vector<16xf32> to vector<16xf32>
      %get3A_982 = arith.constant 224 : index
      %get3A_983 = tpu.vector_load %arg8[%get3A_982] {strides = array<i32>} : memref<512xf32, #tpu.memory_space<vmem>>, vector<16xf32>,
      %get3A_984 = vector.shape_cast %get3A_983 : vector<16xf32> to vector<16xf32>
      %add3A_985 = arith.addf %get3A_981, %get3A_984 : vector<16xf32>
      %swap3A_986 = arith.constant 224 : index
      %swap3A_987 = tpu.vector_load %arg9[%swap3A_986] {strides = array<i32>} : memref<512xf32, #tpu.memory_space<vmem>>, vector<16xf32>,
      %swap3A_988 = vector.shape_cast %swap3A_987 : vector<16xf32> to vector<16xf32>
      %swap3A_989 = vector.shape_cast %add3A_985 : vector<16xf32> to vector<16xf32>
      tpu.vector_store %arg9[%swap3A_986], %swap3A_989 {strides = array<i32>} : memref<512xf32, #tpu.memory_space<vmem>>, vector<16xf32>,
      %get3A_990 = arith.constant 240 : index
      %get3A_991 = tpu.vector_load %arg9[%get3A_990] {strides = array<i32>} : memref<512xf32, #tpu.memory_space<vmem>>, vector<16xf32>,
      %get3A_992 = vector.shape_cast %get3A_991 : vector<16xf32> to vector<16xf32>
      %get3A_993 = arith.constant 240 : index
      %get3A_994 = tpu.vector_load %arg8[%get3A_993] {strides = array<i32>} : memref<512xf32, #tpu.memory_space<vmem>>, vector<16xf32>,
      %get3A_995 = vector.shape_cast %get3A_994 : vector<16xf32> to vector<16xf32>
      %add3A_996 = arith.addf %get3A_992, %get3A_995 : vector<16xf32>
      %swap3A_997 = arith.constant 240 : index
      %swap3A_998 = tpu.vector_load %arg9[%swap3A_997] {strides = array<i32>} : memref<512xf32, #tpu.memory_space<vmem>>, vector<16xf32>,
      %swap3A_999 = vector.shape_cast %swap3A_998 : vector<16xf32> to vector<16xf32>
      %swap3A_1000 = vector.shape_cast %add3A_996 : vector<16xf32> to vector<16xf32>
      tpu.vector_store %arg9[%swap3A_997], %swap3A_1000 {strides = array<i32>} : memref<512xf32, #tpu.memory_space<vmem>>, vector<16xf32>,
      %get3A_1001 = arith.constant 256 : index
      %get3A_1002 = tpu.vector_load %arg9[%get3A_1001] {strides = array<i32>} : memref<512xf32, #tpu.memory_space<vmem>>, vector<16xf32>,
      %get3A_1003 = vector.shape_cast %get3A_1002 : vector<16xf32> to vector<16xf32>
      %get3A_1004 = arith.constant 256 : index
      %get3A_1005 = tpu.vector_load %arg8[%get3A_1004] {strides = array<i32>} : memref<512xf32, #tpu.memory_space<vmem>>, vector<16xf32>,
      %get3A_1006 = vector.shape_cast %get3A_1005 : vector<16xf32> to vector<16xf32>
      %add3A_1007 = arith.addf %get3A_1003, %get3A_1006 : vector<16xf32>
      %swap3A_1008 = arith.constant 256 : index
      %swap3A_1009 = tpu.vector_load %arg9[%swap3A_1008] {strides = array<i32>} : memref<512xf32, #tpu.memory_space<vmem>>, vector<16xf32>,
      %swap3A_1010 = vector.shape_cast %swap3A_1009 : vector<16xf32> to vector<16xf32>
      %swap3A_1011 = vector.shape_cast %add3A_1007 : vector<16xf32> to vector<16xf32>
      tpu.vector_store %arg9[%swap3A_1008], %swap3A_1011 {strides = array<i32>} : memref<512xf32, #tpu.memory_space<vmem>>, vector<16xf32>,
      %get3A_1012 = arith.constant 272 : index
      %get3A_1013 = tpu.vector_load %arg9[%get3A_1012] {strides = array<i32>} : memref<512xf32, #tpu.memory_space<vmem>>, vector<16xf32>,
      %get3A_1014 = vector.shape_cast %get3A_1013 : vector<16xf32> to vector<16xf32>
      %get3A_1015 = arith.constant 272 : index
      %get3A_1016 = tpu.vector_load %arg8[%get3A_1015] {strides = array<i32>} : memref<512xf32, #tpu.memory_space<vmem>>, vector<16xf32>,
      %get3A_1017 = vector.shape_cast %get3A_1016 : vector<16xf32> to vector<16xf32>
      %add3A_1018 = arith.addf %get3A_1014, %get3A_1017 : vector<16xf32>
      %swap3A_1019 = arith.constant 272 : index
      %swap3A_1020 = tpu.vector_load %arg9[%swap3A_1019] {strides = array<i32>} : memref<512xf32, #tpu.memory_space<vmem>>, vector<16xf32>,
      %swap3A_1021 = vector.shape_cast %swap3A_1020 : vector<16xf32> to vector<16xf32>
      %swap3A_1022 = vector.shape_cast %add3A_1018 : vector<16xf32> to vector<16xf32>
      tpu.vector_store %arg9[%swap3A_1019], %swap3A_1022 {strides = array<i32>} : memref<512xf32, #tpu.memory_space<vmem>>, vector<16xf32>,
      %get3A_1023 = arith.constant 288 : index
      %get3A_1024 = tpu.vector_load %arg9[%get3A_1023] {strides = array<i32>} : memref<512xf32, #tpu.memory_space<vmem>>, vector<16xf32>,
      %get3A_1025 = vector.shape_cast %get3A_1024 : vector<16xf32> to vector<16xf32>
      %get3A_1026 = arith.constant 288 : index
      %get3A_1027 = tpu.vector_load %arg8[%get3A_1026] {strides = array<i32>} : memref<512xf32, #tpu.memory_space<vmem>>, vector<16xf32>,
      %get3A_1028 = vector.shape_cast %get3A_1027 : vector<16xf32> to vector<16xf32>
      %add3A_1029 = arith.addf %get3A_1025, %get3A_1028 : vector<16xf32>
      %swap3A_1030 = arith.constant 288 : index
      %swap3A_1031 = tpu.vector_load %arg9[%swap3A_1030] {strides = array<i32>} : memref<512xf32, #tpu.memory_space<vmem>>, vector<16xf32>,
      %swap3A_1032 = vector.shape_cast %swap3A_1031 : vector<16xf32> to vector<16xf32>
      %swap3A_1033 = vector.shape_cast %add3A_1029 : vector<16xf32> to vector<16xf32>
      tpu.vector_store %arg9[%swap3A_1030], %swap3A_1033 {strides = array<i32>} : memref<512xf32, #tpu.memory_space<vmem>>, vector<16xf32>,
      %get3A_1034 = arith.constant 304 : index
      %get3A_1035 = tpu.vector_load %arg9[%get3A_1034] {strides = array<i32>} : memref<512xf32, #tpu.memory_space<vmem>>, vector<16xf32>,
      %get3A_1036 = vector.shape_cast %get3A_1035 : vector<16xf32> to vector<16xf32>
      %get3A_1037 = arith.constant 304 : index
      %get3A_1038 = tpu.vector_load %arg8[%get3A_1037] {strides = array<i32>} : memref<512xf32, #tpu.memory_space<vmem>>, vector<16xf32>,
      %get3A_1039 = vector.shape_cast %get3A_1038 : vector<16xf32> to vector<16xf32>
      %add3A_1040 = arith.addf %get3A_1036, %get3A_1039 : vector<16xf32>
      %swap3A_1041 = arith.constant 304 : index
      %swap3A_1042 = tpu.vector_load %arg9[%swap3A_1041] {strides = array<i32>} : memref<512xf32, #tpu.memory_space<vmem>>, vector<16xf32>,
      %swap3A_1043 = vector.shape_cast %swap3A_1042 : vector<16xf32> to vector<16xf32>
      %swap3A_1044 = vector.shape_cast %add3A_1040 : vector<16xf32> to vector<16xf32>
      tpu.vector_store %arg9[%swap3A_1041], %swap3A_1044 {strides = array<i32>} : memref<512xf32, #tpu.memory_space<vmem>>, vector<16xf32>,
      %get3A_1045 = arith.constant 320 : index
      %get3A_1046 = tpu.vector_load %arg9[%get3A_1045] {strides = array<i32>} : memref<512xf32, #tpu.memory_space<vmem>>, vector<16xf32>,
      %get3A_1047 = vector.shape_cast %get3A_1046 : vector<16xf32> to vector<16xf32>
      %get3A_1048 = arith.constant 320 : index
      %get3A_1049 = tpu.vector_load %arg8[%get3A_1048] {strides = array<i32>} : memref<512xf32, #tpu.memory_space<vmem>>, vector<16xf32>,
      %get3A_1050 = vector.shape_cast %get3A_1049 : vector<16xf32> to vector<16xf32>
      %add3A_1051 = arith.addf %get3A_1047, %get3A_1050 : vector<16xf32>
      %swap3A_1052 = arith.constant 320 : index
      %swap3A_1053 = tpu.vector_load %arg9[%swap3A_1052] {strides = array<i32>} : memref<512xf32, #tpu.memory_space<vmem>>, vector<16xf32>,
      %swap3A_1054 = vector.shape_cast %swap3A_1053 : vector<16xf32> to vector<16xf32>
      %swap3A_1055 = vector.shape_cast %add3A_1051 : vector<16xf32> to vector<16xf32>
      tpu.vector_store %arg9[%swap3A_1052], %swap3A_1055 {strides = array<i32>} : memref<512xf32, #tpu.memory_space<vmem>>, vector<16xf32>,
      %get3A_1056 = arith.constant 336 : index
      %get3A_1057 = tpu.vector_load %arg9[%get3A_1056] {strides = array<i32>} : memref<512xf32, #tpu.memory_space<vmem>>, vector<16xf32>,
      %get3A_1058 = vector.shape_cast %get3A_1057 : vector<16xf32> to vector<16xf32>
      %get3A_1059 = arith.constant 336 : index
      %get3A_1060 = tpu.vector_load %arg8[%get3A_1059] {strides = array<i32>} : memref<512xf32, #tpu.memory_space<vmem>>, vector<16xf32>,
      %get3A_1061 = vector.shape_cast %get3A_1060 : vector<16xf32> to vector<16xf32>
      %add3A_1062 = arith.addf %get3A_1058, %get3A_1061 : vector<16xf32>
      %swap3A_1063 = arith.constant 336 : index
      %swap3A_1064 = tpu.vector_load %arg9[%swap3A_1063] {strides = array<i32>} : memref<512xf32, #tpu.memory_space<vmem>>, vector<16xf32>,
      %swap3A_1065 = vector.shape_cast %swap3A_1064 : vector<16xf32> to vector<16xf32>
      %swap3A_1066 = vector.shape_cast %add3A_1062 : vector<16xf32> to vector<16xf32>
      tpu.vector_store %arg9[%swap3A_1063], %swap3A_1066 {strides = array<i32>} : memref<512xf32, #tpu.memory_space<vmem>>, vector<16xf32>,
      %get3A_1067 = arith.constant 352 : index
      %get3A_1068 = tpu.vector_load %arg9[%get3A_1067] {strides = array<i32>} : memref<512xf32, #tpu.memory_space<vmem>>, vector<16xf32>,
      %get3A_1069 = vector.shape_cast %get3A_1068 : vector<16xf32> to vector<16xf32>
      %get3A_1070 = arith.constant 352 : index
      %get3A_1071 = tpu.vector_load %arg8[%get3A_1070] {strides = array<i32>} : memref<512xf32, #tpu.memory_space<vmem>>, vector<16xf32>,
      %get3A_1072 = vector.shape_cast %get3A_1071 : vector<16xf32> to vector<16xf32>
      %add3A_1073 = arith.addf %get3A_1069, %get3A_1072 : vector<16xf32>
      %swap3A_1074 = arith.constant 352 : index
      %swap3A_1075 = tpu.vector_load %arg9[%swap3A_1074] {strides = array<i32>} : memref<512xf32, #tpu.memory_space<vmem>>, vector<16xf32>,
      %swap3A_1076 = vector.shape_cast %swap3A_1075 : vector<16xf32> to vector<16xf32>
      %swap3A_1077 = vector.shape_cast %add3A_1073 : vector<16xf32> to vector<16xf32>
      tpu.vector_store %arg9[%swap3A_1074], %swap3A_1077 {strides = array<i32>} : memref<512xf32, #tpu.memory_space<vmem>>, vector<16xf32>,
      %get3A_1078 = arith.constant 368 : index
      %get3A_1079 = tpu.vector_load %arg9[%get3A_1078] {strides = array<i32>} : memref<512xf32, #tpu.memory_space<vmem>>, vector<16xf32>,
      %get3A_1080 = vector.shape_cast %get3A_1079 : vector<16xf32> to vector<16xf32>
      %get3A_1081 = arith.constant 368 : index
      %get3A_1082 = tpu.vector_load %arg8[%get3A_1081] {strides = array<i32>} : memref<512xf32, #tpu.memory_space<vmem>>, vector<16xf32>,
      %get3A_1083 = vector.shape_cast %get3A_1082 : vector<16xf32> to vector<16xf32>
      %add3A_1084 = arith.addf %get3A_1080, %get3A_1083 : vector<16xf32>
      %swap3A_1085 = arith.constant 368 : index
      %swap3A_1086 = tpu.vector_load %arg9[%swap3A_1085] {strides = array<i32>} : memref<512xf32, #tpu.memory_space<vmem>>, vector<16xf32>,
      %swap3A_1087 = vector.shape_cast %swap3A_1086 : vector<16xf32> to vector<16xf32>
      %swap3A_1088 = vector.shape_cast %add3A_1084 : vector<16xf32> to vector<16xf32>
      tpu.vector_store %arg9[%swap3A_1085], %swap3A_1088 {strides = array<i32>} : memref<512xf32, #tpu.memory_space<vmem>>, vector<16xf32>,
      %get3A_1089 = arith.constant 384 : index
      %get3A_1090 = tpu.vector_load %arg9[%get3A_1089] {strides = array<i32>} : memref<512xf32, #tpu.memory_space<vmem>>, vector<16xf32>,
      %get3A_1091 = vector.shape_cast %get3A_1090 : vector<16xf32> to vector<16xf32>
      %get3A_1092 = arith.constant 384 : index
      %get3A_1093 = tpu.vector_load %arg8[%get3A_1092] {strides = array<i32>} : memref<512xf32, #tpu.memory_space<vmem>>, vector<16xf32>,
      %get3A_1094 = vector.shape_cast %get3A_1093 : vector<16xf32> to vector<16xf32>
      %add3A_1095 = arith.addf %get3A_1091, %get3A_1094 : vector<16xf32>
      %swap3A_1096 = arith.constant 384 : index
      %swap3A_1097 = tpu.vector_load %arg9[%swap3A_1096] {strides = array<i32>} : memref<512xf32, #tpu.memory_space<vmem>>, vector<16xf32>,
      %swap3A_1098 = vector.shape_cast %swap3A_1097 : vector<16xf32> to vector<16xf32>
      %swap3A_1099 = vector.shape_cast %add3A_1095 : vector<16xf32> to vector<16xf32>
      tpu.vector_store %arg9[%swap3A_1096], %swap3A_1099 {strides = array<i32>} : memref<512xf32, #tpu.memory_space<vmem>>, vector<16xf32>,
      %get3A_1100 = arith.constant 400 : index
      %get3A_1101 = tpu.vector_load %arg9[%get3A_1100] {strides = array<i32>} : memref<512xf32, #tpu.memory_space<vmem>>, vector<16xf32>,
      %get3A_1102 = vector.shape_cast %get3A_1101 : vector<16xf32> to vector<16xf32>
      %get3A_1103 = arith.constant 400 : index
      %get3A_1104 = tpu.vector_load %arg8[%get3A_1103] {strides = array<i32>} : memref<512xf32, #tpu.memory_space<vmem>>, vector<16xf32>,
      %get3A_1105 = vector.shape_cast %get3A_1104 : vector<16xf32> to vector<16xf32>
      %add3A_1106 = arith.addf %get3A_1102, %get3A_1105 : vector<16xf32>
      %swap3A_1107 = arith.constant 400 : index
      %swap3A_1108 = tpu.vector_load %arg9[%swap3A_1107] {strides = array<i32>} : memref<512xf32, #tpu.memory_space<vmem>>, vector<16xf32>,
      %swap3A_1109 = vector.shape_cast %swap3A_1108 : vector<16xf32> to vector<16xf32>
      %swap3A_1110 = vector.shape_cast %add3A_1106 : vector<16xf32> to vector<16xf32>
      tpu.vector_store %arg9[%swap3A_1107], %swap3A_1110 {strides = array<i32>} : memref<512xf32, #tpu.memory_space<vmem>>, vector<16xf32>,
      %get3A_1111 = arith.constant 416 : index
      %get3A_1112 = tpu.vector_load %arg9[%get3A_1111] {strides = array<i32>} : memref<512xf32, #tpu.memory_space<vmem>>, vector<16xf32>,
      %get3A_1113 = vector.shape_cast %get3A_1112 : vector<16xf32> to vector<16xf32>
      %get3A_1114 = arith.constant 416 : index
      %get3A_1115 = tpu.vector_load %arg8[%get3A_1114] {strides = array<i32>} : memref<512xf32, #tpu.memory_space<vmem>>, vector<16xf32>,
      %get3A_1116 = vector.shape_cast %get3A_1115 : vector<16xf32> to vector<16xf32>
      %add3A_1117 = arith.addf %get3A_1113, %get3A_1116 : vector<16xf32>
      %swap3A_1118 = arith.constant 416 : index
      %swap3A_1119 = tpu.vector_load %arg9[%swap3A_1118] {strides = array<i32>} : memref<512xf32, #tpu.memory_space<vmem>>, vector<16xf32>,
      %swap3A_1120 = vector.shape_cast %swap3A_1119 : vector<16xf32> to vector<16xf32>
      %swap3A_1121 = vector.shape_cast %add3A_1117 : vector<16xf32> to vector<16xf32>
      tpu.vector_store %arg9[%swap3A_1118], %swap3A_1121 {strides = array<i32>} : memref<512xf32, #tpu.memory_space<vmem>>, vector<16xf32>,
      %get3A_1122 = arith.constant 432 : index
      %get3A_1123 = tpu.vector_load %arg9[%get3A_1122] {strides = array<i32>} : memref<512xf32, #tpu.memory_space<vmem>>, vector<16xf32>,
      %get3A_1124 = vector.shape_cast %get3A_1123 : vector<16xf32> to vector<16xf32>
      %get3A_1125 = arith.constant 432 : index
      %get3A_1126 = tpu.vector_load %arg8[%get3A_1125] {strides = array<i32>} : memref<512xf32, #tpu.memory_space<vmem>>, vector<16xf32>,
      %get3A_1127 = vector.shape_cast %get3A_1126 : vector<16xf32> to vector<16xf32>
      %add3A_1128 = arith.addf %get3A_1124, %get3A_1127 : vector<16xf32>
      %swap3A_1129 = arith.constant 432 : index
      %swap3A_1130 = tpu.vector_load %arg9[%swap3A_1129] {strides = array<i32>} : memref<512xf32, #tpu.memory_space<vmem>>, vector<16xf32>,
      %swap3A_1131 = vector.shape_cast %swap3A_1130 : vector<16xf32> to vector<16xf32>
      %swap3A_1132 = vector.shape_cast %add3A_1128 : vector<16xf32> to vector<16xf32>
      tpu.vector_store %arg9[%swap3A_1129], %swap3A_1132 {strides = array<i32>} : memref<512xf32, #tpu.memory_space<vmem>>, vector<16xf32>,
      %get3A_1133 = arith.constant 448 : index
      %get3A_1134 = tpu.vector_load %arg9[%get3A_1133] {strides = array<i32>} : memref<512xf32, #tpu.memory_space<vmem>>, vector<16xf32>,
      %get3A_1135 = vector.shape_cast %get3A_1134 : vector<16xf32> to vector<16xf32>
      %get3A_1136 = arith.constant 448 : index
      %get3A_1137 = tpu.vector_load %arg8[%get3A_1136] {strides = array<i32>} : memref<512xf32, #tpu.memory_space<vmem>>, vector<16xf32>,
      %get3A_1138 = vector.shape_cast %get3A_1137 : vector<16xf32> to vector<16xf32>
      %add3A_1139 = arith.addf %get3A_1135, %get3A_1138 : vector<16xf32>
      %swap3A_1140 = arith.constant 448 : index
      %swap3A_1141 = tpu.vector_load %arg9[%swap3A_1140] {strides = array<i32>} : memref<512xf32, #tpu.memory_space<vmem>>, vector<16xf32>,
      %swap3A_1142 = vector.shape_cast %swap3A_1141 : vector<16xf32> to vector<16xf32>
      %swap3A_1143 = vector.shape_cast %add3A_1139 : vector<16xf32> to vector<16xf32>
      tpu.vector_store %arg9[%swap3A_1140], %swap3A_1143 {strides = array<i32>} : memref<512xf32, #tpu.memory_space<vmem>>, vector<16xf32>,
      %get3A_1144 = arith.constant 464 : index
      %get3A_1145 = tpu.vector_load %arg9[%get3A_1144] {strides = array<i32>} : memref<512xf32, #tpu.memory_space<vmem>>, vector<16xf32>,
      %get3A_1146 = vector.shape_cast %get3A_1145 : vector<16xf32> to vector<16xf32>
      %get3A_1147 = arith.constant 464 : index
      %get3A_1148 = tpu.vector_load %arg8[%get3A_1147] {strides = array<i32>} : memref<512xf32, #tpu.memory_space<vmem>>, vector<16xf32>,
      %get3A_1149 = vector.shape_cast %get3A_1148 : vector<16xf32> to vector<16xf32>
      %add3A_1150 = arith.addf %get3A_1146, %get3A_1149 : vector<16xf32>
      %swap3A_1151 = arith.constant 464 : index
      %swap3A_1152 = tpu.vector_load %arg9[%swap3A_1151] {strides = array<i32>} : memref<512xf32, #tpu.memory_space<vmem>>, vector<16xf32>,
      %swap3A_1153 = vector.shape_cast %swap3A_1152 : vector<16xf32> to vector<16xf32>
      %swap3A_1154 = vector.shape_cast %add3A_1150 : vector<16xf32> to vector<16xf32>
      tpu.vector_store %arg9[%swap3A_1151], %swap3A_1154 {strides = array<i32>} : memref<512xf32, #tpu.memory_space<vmem>>, vector<16xf32>,
      %get3A_1155 = arith.constant 480 : index
      %get3A_1156 = tpu.vector_load %arg9[%get3A_1155] {strides = array<i32>} : memref<512xf32, #tpu.memory_space<vmem>>, vector<16xf32>,
      %get3A_1157 = vector.shape_cast %get3A_1156 : vector<16xf32> to vector<16xf32>
      %get3A_1158 = arith.constant 480 : index
      %get3A_1159 = tpu.vector_load %arg8[%get3A_1158] {strides = array<i32>} : memref<512xf32, #tpu.memory_space<vmem>>, vector<16xf32>,
      %get3A_1160 = vector.shape_cast %get3A_1159 : vector<16xf32> to vector<16xf32>
      %add3A_1161 = arith.addf %get3A_1157, %get3A_1160 : vector<16xf32>
      %swap3A_1162 = arith.constant 480 : index
      %swap3A_1163 = tpu.vector_load %arg9[%swap3A_1162] {strides = array<i32>} : memref<512xf32, #tpu.memory_space<vmem>>, vector<16xf32>,
      %swap3A_1164 = vector.shape_cast %swap3A_1163 : vector<16xf32> to vector<16xf32>
      %swap3A_1165 = vector.shape_cast %add3A_1161 : vector<16xf32> to vector<16xf32>
      tpu.vector_store %arg9[%swap3A_1162], %swap3A_1165 {strides = array<i32>} : memref<512xf32, #tpu.memory_space<vmem>>, vector<16xf32>,
      %get3A_1166 = arith.constant 496 : index
      %get3A_1167 = tpu.vector_load %arg9[%get3A_1166] {strides = array<i32>} : memref<512xf32, #tpu.memory_space<vmem>>, vector<16xf32>,
      %get3A_1168 = vector.shape_cast %get3A_1167 : vector<16xf32> to vector<16xf32>
      %get3A_1169 = arith.constant 496 : index
      %get3A_1170 = tpu.vector_load %arg8[%get3A_1169] {strides = array<i32>} : memref<512xf32, #tpu.memory_space<vmem>>, vector<16xf32>,
      %get3A_1171 = vector.shape_cast %get3A_1170 : vector<16xf32> to vector<16xf32>
      %add3A_1172 = arith.addf %get3A_1168, %get3A_1171 : vector<16xf32>
      %swap3A_1173 = arith.constant 496 : index
      %swap3A_1174 = tpu.vector_load %arg9[%swap3A_1173] {strides = array<i32>} : memref<512xf32, #tpu.memory_space<vmem>>, vector<16xf32>,
      %swap3A_1175 = vector.shape_cast %swap3A_1174 : vector<16xf32> to vector<16xf32>
      %swap3A_1176 = vector.shape_cast %add3A_1172 : vector<16xf32> to vector<16xf32>
      tpu.vector_store %arg9[%swap3A_1173], %swap3A_1176 {strides = array<i32>} : memref<512xf32, #tpu.memory_space<vmem>>, vector<16xf32>,
    }
    %scan3A_197 = arith.constant 26 : i32
    %get3A = arith.constant 0 : index
    %get3A_198 = tpu.vector_load %arg10[%get3A] {strides = array<i32>} : memref<16xf32, #tpu.memory_space<vmem>>, vector<16xf32>,
    %get3A_199 = vector.shape_cast %get3A_198 : vector<16xf32> to vector<16xf32>
    %get3A_200 = arith.constant 0 : index
    %get3A_201 = tpu.vector_load %arg9[%get3A_200] {strides = array<i32>} : memref<512xf32, #tpu.memory_space<vmem>>, vector<16xf32>,
    %get3A_202 = vector.shape_cast %get3A_201 : vector<16xf32> to vector<16xf32>
    %add3A_203 = arith.addf %get3A_202, %get3A_199 : vector<16xf32>
    %swap3A_204 = arith.constant 0 : index
    %swap3A_205 = tpu.vector_load %arg9[%swap3A_204] {strides = array<i32>} : memref<512xf32, #tpu.memory_space<vmem>>, vector<16xf32>,
    %swap3A_206 = vector.shape_cast %swap3A_205 : vector<16xf32> to vector<16xf32>
    %swap3A_207 = vector.shape_cast %add3A_203 : vector<16xf32> to vector<16xf32>
    tpu.vector_store %arg9[%swap3A_204], %swap3A_207 {strides = array<i32>} : memref<512xf32, #tpu.memory_space<vmem>>, vector<16xf32>,
    %get3A_208 = arith.constant 16 : index
    %get3A_209 = tpu.vector_load %arg9[%get3A_208] {strides = array<i32>} : memref<512xf32, #tpu.memory_space<vmem>>, vector<16xf32>,
    %get3A_210 = vector.shape_cast %get3A_209 : vector<16xf32> to vector<16xf32>
    %add3A_211 = arith.addf %get3A_210, %get3A_199 : vector<16xf32>
    %swap3A_212 = arith.constant 16 : index
    %swap3A_213 = tpu.vector_load %arg9[%swap3A_212] {strides = array<i32>} : memref<512xf32, #tpu.memory_space<vmem>>, vector<16xf32>,
    %swap3A_214 = vector.shape_cast %swap3A_213 : vector<16xf32> to vector<16xf32>
    %swap3A_215 = vector.shape_cast %add3A_211 : vector<16xf32> to vector<16xf32>
    tpu.vector_store %arg9[%swap3A_212], %swap3A_215 {strides = array<i32>} : memref<512xf32, #tpu.memory_space<vmem>>, vector<16xf32>,
    %get3A_216 = arith.constant 32 : index
    %get3A_217 = tpu.vector_load %arg9[%get3A_216] {strides = array<i32>} : memref<512xf32, #tpu.memory_space<vmem>>, vector<16xf32>,
    %get3A_218 = vector.shape_cast %get3A_217 : vector<16xf32> to vector<16xf32>
    %add3A_219 = arith.addf %get3A_218, %get3A_199 : vector<16xf32>
    %swap3A_220 = arith.constant 32 : index
    %swap3A_221 = tpu.vector_load %arg9[%swap3A_220] {strides = array<i32>} : memref<512xf32, #tpu.memory_space<vmem>>, vector<16xf32>,
    %swap3A_222 = vector.shape_cast %swap3A_221 : vector<16xf32> to vector<16xf32>
    %swap3A_223 = vector.shape_cast %add3A_219 : vector<16xf32> to vector<16xf32>
    tpu.vector_store %arg9[%swap3A_220], %swap3A_223 {strides = array<i32>} : memref<512xf32, #tpu.memory_space<vmem>>, vector<16xf32>,
    %get3A_224 = arith.constant 48 : index
    %get3A_225 = tpu.vector_load %arg9[%get3A_224] {strides = array<i32>} : memref<512xf32, #tpu.memory_space<vmem>>, vector<16xf32>,
    %get3A_226 = vector.shape_cast %get3A_225 : vector<16xf32> to vector<16xf32>
    %add3A_227 = arith.addf %get3A_226, %get3A_199 : vector<16xf32>
    %swap3A_228 = arith.constant 48 : index
    %swap3A_229 = tpu.vector_load %arg9[%swap3A_228] {strides = array<i32>} : memref<512xf32, #tpu.memory_space<vmem>>, vector<16xf32>,
    %swap3A_230 = vector.shape_cast %swap3A_229 : vector<16xf32> to vector<16xf32>
    %swap3A_231 = vector.shape_cast %add3A_227 : vector<16xf32> to vector<16xf32>
    tpu.vector_store %arg9[%swap3A_228], %swap3A_231 {strides = array<i32>} : memref<512xf32, #tpu.memory_space<vmem>>, vector<16xf32>,
    %get3A_232 = arith.constant 64 : index
    %get3A_233 = tpu.vector_load %arg9[%get3A_232] {strides = array<i32>} : memref<512xf32, #tpu.memory_space<vmem>>, vector<16xf32>,
    %get3A_234 = vector.shape_cast %get3A_233 : vector<16xf32> to vector<16xf32>
    %add3A_235 = arith.addf %get3A_234, %get3A_199 : vector<16xf32>
    %swap3A_236 = arith.constant 64 : index
    %swap3A_237 = tpu.vector_load %arg9[%swap3A_236] {strides = array<i32>} : memref<512xf32, #tpu.memory_space<vmem>>, vector<16xf32>,
    %swap3A_238 = vector.shape_cast %swap3A_237 : vector<16xf32> to vector<16xf32>
    %swap3A_239 = vector.shape_cast %add3A_235 : vector<16xf32> to vector<16xf32>
    tpu.vector_store %arg9[%swap3A_236], %swap3A_239 {strides = array<i32>} : memref<512xf32, #tpu.memory_space<vmem>>, vector<16xf32>,
    %get3A_240 = arith.constant 80 : index
    %get3A_241 = tpu.vector_load %arg9[%get3A_240] {strides = array<i32>} : memref<512xf32, #tpu.memory_space<vmem>>, vector<16xf32>,
    %get3A_242 = vector.shape_cast %get3A_241 : vector<16xf32> to vector<16xf32>
    %add3A_243 = arith.addf %get3A_242, %get3A_199 : vector<16xf32>
    %swap3A_244 = arith.constant 80 : index
    %swap3A_245 = tpu.vector_load %arg9[%swap3A_244] {strides = array<i32>} : memref<512xf32, #tpu.memory_space<vmem>>, vector<16xf32>,
    %swap3A_246 = vector.shape_cast %swap3A_245 : vector<16xf32> to vector<16xf32>
    %swap3A_247 = vector.shape_cast %add3A_243 : vector<16xf32> to vector<16xf32>
    tpu.vector_store %arg9[%swap3A_244], %swap3A_247 {strides = array<i32>} : memref<512xf32, #tpu.memory_space<vmem>>, vector<16xf32>,
    %get3A_248 = arith.constant 96 : index
    %get3A_249 = tpu.vector_load %arg9[%get3A_248] {strides = array<i32>} : memref<512xf32, #tpu.memory_space<vmem>>, vector<16xf32>,
    %get3A_250 = vector.shape_cast %get3A_249 : vector<16xf32> to vector<16xf32>
    %add3A_251 = arith.addf %get3A_250, %get3A_199 : vector<16xf32>
    %swap3A_252 = arith.constant 96 : index
    %swap3A_253 = tpu.vector_load %arg9[%swap3A_252] {strides = array<i32>} : memref<512xf32, #tpu.memory_space<vmem>>, vector<16xf32>,
    %swap3A_254 = vector.shape_cast %swap3A_253 : vector<16xf32> to vector<16xf32>
    %swap3A_255 = vector.shape_cast %add3A_251 : vector<16xf32> to vector<16xf32>
    tpu.vector_store %arg9[%swap3A_252], %swap3A_255 {strides = array<i32>} : memref<512xf32, #tpu.memory_space<vmem>>, vector<16xf32>,
    %get3A_256 = arith.constant 112 : index
    %get3A_257 = tpu.vector_load %arg9[%get3A_256] {strides = array<i32>} : memref<512xf32, #tpu.memory_space<vmem>>, vector<16xf32>,
    %get3A_258 = vector.shape_cast %get3A_257 : vector<16xf32> to vector<16xf32>
    %add3A_259 = arith.addf %get3A_258, %get3A_199 : vector<16xf32>
    %swap3A_260 = arith.constant 112 : index
    %swap3A_261 = tpu.vector_load %arg9[%swap3A_260] {strides = array<i32>} : memref<512xf32, #tpu.memory_space<vmem>>, vector<16xf32>,
    %swap3A_262 = vector.shape_cast %swap3A_261 : vector<16xf32> to vector<16xf32>
    %swap3A_263 = vector.shape_cast %add3A_259 : vector<16xf32> to vector<16xf32>
    tpu.vector_store %arg9[%swap3A_260], %swap3A_263 {strides = array<i32>} : memref<512xf32, #tpu.memory_space<vmem>>, vector<16xf32>,
    %get3A_264 = arith.constant 128 : index
    %get3A_265 = tpu.vector_load %arg9[%get3A_264] {strides = array<i32>} : memref<512xf32, #tpu.memory_space<vmem>>, vector<16xf32>,
    %get3A_266 = vector.shape_cast %get3A_265 : vector<16xf32> to vector<16xf32>
    %add3A_267 = arith.addf %get3A_266, %get3A_199 : vector<16xf32>
    %swap3A_268 = arith.constant 128 : index
    %swap3A_269 = tpu.vector_load %arg9[%swap3A_268] {strides = array<i32>} : memref<512xf32, #tpu.memory_space<vmem>>, vector<16xf32>,
    %swap3A_270 = vector.shape_cast %swap3A_269 : vector<16xf32> to vector<16xf32>
    %swap3A_271 = vector.shape_cast %add3A_267 : vector<16xf32> to vector<16xf32>
    tpu.vector_store %arg9[%swap3A_268], %swap3A_271 {strides = array<i32>} : memref<512xf32, #tpu.memory_space<vmem>>, vector<16xf32>,
    %get3A_272 = arith.constant 144 : index
    %get3A_273 = tpu.vector_load %arg9[%get3A_272] {strides = array<i32>} : memref<512xf32, #tpu.memory_space<vmem>>, vector<16xf32>,
    %get3A_274 = vector.shape_cast %get3A_273 : vector<16xf32> to vector<16xf32>
    %add3A_275 = arith.addf %get3A_274, %get3A_199 : vector<16xf32>
    %swap3A_276 = arith.constant 144 : index
    %swap3A_277 = tpu.vector_load %arg9[%swap3A_276] {strides = array<i32>} : memref<512xf32, #tpu.memory_space<vmem>>, vector<16xf32>,
    %swap3A_278 = vector.shape_cast %swap3A_277 : vector<16xf32> to vector<16xf32>
    %swap3A_279 = vector.shape_cast %add3A_275 : vector<16xf32> to vector<16xf32>
    tpu.vector_store %arg9[%swap3A_276], %swap3A_279 {strides = array<i32>} : memref<512xf32, #tpu.memory_space<vmem>>, vector<16xf32>,
    %get3A_280 = arith.constant 160 : index
    %get3A_281 = tpu.vector_load %arg9[%get3A_280] {strides = array<i32>} : memref<512xf32, #tpu.memory_space<vmem>>, vector<16xf32>,
    %get3A_282 = vector.shape_cast %get3A_281 : vector<16xf32> to vector<16xf32>
    %add3A_283 = arith.addf %get3A_282, %get3A_199 : vector<16xf32>
    %swap3A_284 = arith.constant 160 : index
    %swap3A_285 = tpu.vector_load %arg9[%swap3A_284] {strides = array<i32>} : memref<512xf32, #tpu.memory_space<vmem>>, vector<16xf32>,
    %swap3A_286 = vector.shape_cast %swap3A_285 : vector<16xf32> to vector<16xf32>
    %swap3A_287 = vector.shape_cast %add3A_283 : vector<16xf32> to vector<16xf32>
    tpu.vector_store %arg9[%swap3A_284], %swap3A_287 {strides = array<i32>} : memref<512xf32, #tpu.memory_space<vmem>>, vector<16xf32>,
    %get3A_288 = arith.constant 176 : index
    %get3A_289 = tpu.vector_load %arg9[%get3A_288] {strides = array<i32>} : memref<512xf32, #tpu.memory_space<vmem>>, vector<16xf32>,
    %get3A_290 = vector.shape_cast %get3A_289 : vector<16xf32> to vector<16xf32>
    %add3A_291 = arith.addf %get3A_290, %get3A_199 : vector<16xf32>
    %swap3A_292 = arith.constant 176 : index
    %swap3A_293 = tpu.vector_load %arg9[%swap3A_292] {strides = array<i32>} : memref<512xf32, #tpu.memory_space<vmem>>, vector<16xf32>,
    %swap3A_294 = vector.shape_cast %swap3A_293 : vector<16xf32> to vector<16xf32>
    %swap3A_295 = vector.shape_cast %add3A_291 : vector<16xf32> to vector<16xf32>
    tpu.vector_store %arg9[%swap3A_292], %swap3A_295 {strides = array<i32>} : memref<512xf32, #tpu.memory_space<vmem>>, vector<16xf32>,
    %get3A_296 = arith.constant 192 : index
    %get3A_297 = tpu.vector_load %arg9[%get3A_296] {strides = array<i32>} : memref<512xf32, #tpu.memory_space<vmem>>, vector<16xf32>,
    %get3A_298 = vector.shape_cast %get3A_297 : vector<16xf32> to vector<16xf32>
    %add3A_299 = arith.addf %get3A_298, %get3A_199 : vector<16xf32>
    %swap3A_300 = arith.constant 192 : index
    %swap3A_301 = tpu.vector_load %arg9[%swap3A_300] {strides = array<i32>} : memref<512xf32, #tpu.memory_space<vmem>>, vector<16xf32>,
    %swap3A_302 = vector.shape_cast %swap3A_301 : vector<16xf32> to vector<16xf32>
    %swap3A_303 = vector.shape_cast %add3A_299 : vector<16xf32> to vector<16xf32>
    tpu.vector_store %arg9[%swap3A_300], %swap3A_303 {strides = array<i32>} : memref<512xf32, #tpu.memory_space<vmem>>, vector<16xf32>,
    %get3A_304 = arith.constant 208 : index
    %get3A_305 = tpu.vector_load %arg9[%get3A_304] {strides = array<i32>} : memref<512xf32, #tpu.memory_space<vmem>>, vector<16xf32>,
    %get3A_306 = vector.shape_cast %get3A_305 : vector<16xf32> to vector<16xf32>
    %add3A_307 = arith.addf %get3A_306, %get3A_199 : vector<16xf32>
    %swap3A_308 = arith.constant 208 : index
    %swap3A_309 = tpu.vector_load %arg9[%swap3A_308] {strides = array<i32>} : memref<512xf32, #tpu.memory_space<vmem>>, vector<16xf32>,
    %swap3A_310 = vector.shape_cast %swap3A_309 : vector<16xf32> to vector<16xf32>
    %swap3A_311 = vector.shape_cast %add3A_307 : vector<16xf32> to vector<16xf32>
    tpu.vector_store %arg9[%swap3A_308], %swap3A_311 {strides = array<i32>} : memref<512xf32, #tpu.memory_space<vmem>>, vector<16xf32>,
    %get3A_312 = arith.constant 224 : index
    %get3A_313 = tpu.vector_load %arg9[%get3A_312] {strides = array<i32>} : memref<512xf32, #tpu.memory_space<vmem>>, vector<16xf32>,
    %get3A_314 = vector.shape_cast %get3A_313 : vector<16xf32> to vector<16xf32>
    %add3A_315 = arith.addf %get3A_314, %get3A_199 : vector<16xf32>
    %swap3A_316 = arith.constant 224 : index
    %swap3A_317 = tpu.vector_load %arg9[%swap3A_316] {strides = array<i32>} : memref<512xf32, #tpu.memory_space<vmem>>, vector<16xf32>,
    %swap3A_318 = vector.shape_cast %swap3A_317 : vector<16xf32> to vector<16xf32>
    %swap3A_319 = vector.shape_cast %add3A_315 : vector<16xf32> to vector<16xf32>
    tpu.vector_store %arg9[%swap3A_316], %swap3A_319 {strides = array<i32>} : memref<512xf32, #tpu.memory_space<vmem>>, vector<16xf32>,
    %get3A_320 = arith.constant 240 : index
    %get3A_321 = tpu.vector_load %arg9[%get3A_320] {strides = array<i32>} : memref<512xf32, #tpu.memory_space<vmem>>, vector<16xf32>,
    %get3A_322 = vector.shape_cast %get3A_321 : vector<16xf32> to vector<16xf32>
    %add3A_323 = arith.addf %get3A_322, %get3A_199 : vector<16xf32>
    %swap3A_324 = arith.constant 240 : index
    %swap3A_325 = tpu.vector_load %arg9[%swap3A_324] {strides = array<i32>} : memref<512xf32, #tpu.memory_space<vmem>>, vector<16xf32>,
    %swap3A_326 = vector.shape_cast %swap3A_325 : vector<16xf32> to vector<16xf32>
    %swap3A_327 = vector.shape_cast %add3A_323 : vector<16xf32> to vector<16xf32>
    tpu.vector_store %arg9[%swap3A_324], %swap3A_327 {strides = array<i32>} : memref<512xf32, #tpu.memory_space<vmem>>, vector<16xf32>,
    %get3A_328 = arith.constant 256 : index
    %get3A_329 = tpu.vector_load %arg9[%get3A_328] {strides = array<i32>} : memref<512xf32, #tpu.memory_space<vmem>>, vector<16xf32>,
    %get3A_330 = vector.shape_cast %get3A_329 : vector<16xf32> to vector<16xf32>
    %add3A_331 = arith.addf %get3A_330, %get3A_199 : vector<16xf32>
    %swap3A_332 = arith.constant 256 : index
    %swap3A_333 = tpu.vector_load %arg9[%swap3A_332] {strides = array<i32>} : memref<512xf32, #tpu.memory_space<vmem>>, vector<16xf32>,
    %swap3A_334 = vector.shape_cast %swap3A_333 : vector<16xf32> to vector<16xf32>
    %swap3A_335 = vector.shape_cast %add3A_331 : vector<16xf32> to vector<16xf32>
    tpu.vector_store %arg9[%swap3A_332], %swap3A_335 {strides = array<i32>} : memref<512xf32, #tpu.memory_space<vmem>>, vector<16xf32>,
    %get3A_336 = arith.constant 272 : index
    %get3A_337 = tpu.vector_load %arg9[%get3A_336] {strides = array<i32>} : memref<512xf32, #tpu.memory_space<vmem>>, vector<16xf32>,
    %get3A_338 = vector.shape_cast %get3A_337 : vector<16xf32> to vector<16xf32>
    %add3A_339 = arith.addf %get3A_338, %get3A_199 : vector<16xf32>
    %swap3A_340 = arith.constant 272 : index
    %swap3A_341 = tpu.vector_load %arg9[%swap3A_340] {strides = array<i32>} : memref<512xf32, #tpu.memory_space<vmem>>, vector<16xf32>,
    %swap3A_342 = vector.shape_cast %swap3A_341 : vector<16xf32> to vector<16xf32>
    %swap3A_343 = vector.shape_cast %add3A_339 : vector<16xf32> to vector<16xf32>
    tpu.vector_store %arg9[%swap3A_340], %swap3A_343 {strides = array<i32>} : memref<512xf32, #tpu.memory_space<vmem>>, vector<16xf32>,
    %get3A_344 = arith.constant 288 : index
    %get3A_345 = tpu.vector_load %arg9[%get3A_344] {strides = array<i32>} : memref<512xf32, #tpu.memory_space<vmem>>, vector<16xf32>,
    %get3A_346 = vector.shape_cast %get3A_345 : vector<16xf32> to vector<16xf32>
    %add3A_347 = arith.addf %get3A_346, %get3A_199 : vector<16xf32>
    %swap3A_348 = arith.constant 288 : index
    %swap3A_349 = tpu.vector_load %arg9[%swap3A_348] {strides = array<i32>} : memref<512xf32, #tpu.memory_space<vmem>>, vector<16xf32>,
    %swap3A_350 = vector.shape_cast %swap3A_349 : vector<16xf32> to vector<16xf32>
    %swap3A_351 = vector.shape_cast %add3A_347 : vector<16xf32> to vector<16xf32>
    tpu.vector_store %arg9[%swap3A_348], %swap3A_351 {strides = array<i32>} : memref<512xf32, #tpu.memory_space<vmem>>, vector<16xf32>,
    %get3A_352 = arith.constant 304 : index
    %get3A_353 = tpu.vector_load %arg9[%get3A_352] {strides = array<i32>} : memref<512xf32, #tpu.memory_space<vmem>>, vector<16xf32>,
    %get3A_354 = vector.shape_cast %get3A_353 : vector<16xf32> to vector<16xf32>
    %add3A_355 = arith.addf %get3A_354, %get3A_199 : vector<16xf32>
    %swap3A_356 = arith.constant 304 : index
    %swap3A_357 = tpu.vector_load %arg9[%swap3A_356] {strides = array<i32>} : memref<512xf32, #tpu.memory_space<vmem>>, vector<16xf32>,
    %swap3A_358 = vector.shape_cast %swap3A_357 : vector<16xf32> to vector<16xf32>
    %swap3A_359 = vector.shape_cast %add3A_355 : vector<16xf32> to vector<16xf32>
    tpu.vector_store %arg9[%swap3A_356], %swap3A_359 {strides = array<i32>} : memref<512xf32, #tpu.memory_space<vmem>>, vector<16xf32>,
    %get3A_360 = arith.constant 320 : index
    %get3A_361 = tpu.vector_load %arg9[%get3A_360] {strides = array<i32>} : memref<512xf32, #tpu.memory_space<vmem>>, vector<16xf32>,
    %get3A_362 = vector.shape_cast %get3A_361 : vector<16xf32> to vector<16xf32>
    %add3A_363 = arith.addf %get3A_362, %get3A_199 : vector<16xf32>
    %swap3A_364 = arith.constant 320 : index
    %swap3A_365 = tpu.vector_load %arg9[%swap3A_364] {strides = array<i32>} : memref<512xf32, #tpu.memory_space<vmem>>, vector<16xf32>,
    %swap3A_366 = vector.shape_cast %swap3A_365 : vector<16xf32> to vector<16xf32>
    %swap3A_367 = vector.shape_cast %add3A_363 : vector<16xf32> to vector<16xf32>
    tpu.vector_store %arg9[%swap3A_364], %swap3A_367 {strides = array<i32>} : memref<512xf32, #tpu.memory_space<vmem>>, vector<16xf32>,
    %get3A_368 = arith.constant 336 : index
    %get3A_369 = tpu.vector_load %arg9[%get3A_368] {strides = array<i32>} : memref<512xf32, #tpu.memory_space<vmem>>, vector<16xf32>,
    %get3A_370 = vector.shape_cast %get3A_369 : vector<16xf32> to vector<16xf32>
    %add3A_371 = arith.addf %get3A_370, %get3A_199 : vector<16xf32>
    %swap3A_372 = arith.constant 336 : index
    %swap3A_373 = tpu.vector_load %arg9[%swap3A_372] {strides = array<i32>} : memref<512xf32, #tpu.memory_space<vmem>>, vector<16xf32>,
    %swap3A_374 = vector.shape_cast %swap3A_373 : vector<16xf32> to vector<16xf32>
    %swap3A_375 = vector.shape_cast %add3A_371 : vector<16xf32> to vector<16xf32>
    tpu.vector_store %arg9[%swap3A_372], %swap3A_375 {strides = array<i32>} : memref<512xf32, #tpu.memory_space<vmem>>, vector<16xf32>,
    %get3A_376 = arith.constant 352 : index
    %get3A_377 = tpu.vector_load %arg9[%get3A_376] {strides = array<i32>} : memref<512xf32, #tpu.memory_space<vmem>>, vector<16xf32>,
    %get3A_378 = vector.shape_cast %get3A_377 : vector<16xf32> to vector<16xf32>
    %add3A_379 = arith.addf %get3A_378, %get3A_199 : vector<16xf32>
    %swap3A_380 = arith.constant 352 : index
    %swap3A_381 = tpu.vector_load %arg9[%swap3A_380] {strides = array<i32>} : memref<512xf32, #tpu.memory_space<vmem>>, vector<16xf32>,
    %swap3A_382 = vector.shape_cast %swap3A_381 : vector<16xf32> to vector<16xf32>
    %swap3A_383 = vector.shape_cast %add3A_379 : vector<16xf32> to vector<16xf32>
    tpu.vector_store %arg9[%swap3A_380], %swap3A_383 {strides = array<i32>} : memref<512xf32, #tpu.memory_space<vmem>>, vector<16xf32>,
    %get3A_384 = arith.constant 368 : index
    %get3A_385 = tpu.vector_load %arg9[%get3A_384] {strides = array<i32>} : memref<512xf32, #tpu.memory_space<vmem>>, vector<16xf32>,
    %get3A_386 = vector.shape_cast %get3A_385 : vector<16xf32> to vector<16xf32>
    %add3A_387 = arith.addf %get3A_386, %get3A_199 : vector<16xf32>
    %swap3A_388 = arith.constant 368 : index
    %swap3A_389 = tpu.vector_load %arg9[%swap3A_388] {strides = array<i32>} : memref<512xf32, #tpu.memory_space<vmem>>, vector<16xf32>,
    %swap3A_390 = vector.shape_cast %swap3A_389 : vector<16xf32> to vector<16xf32>
    %swap3A_391 = vector.shape_cast %add3A_387 : vector<16xf32> to vector<16xf32>
    tpu.vector_store %arg9[%swap3A_388], %swap3A_391 {strides = array<i32>} : memref<512xf32, #tpu.memory_space<vmem>>, vector<16xf32>,
    %get3A_392 = arith.constant 384 : index
    %get3A_393 = tpu.vector_load %arg9[%get3A_392] {strides = array<i32>} : memref<512xf32, #tpu.memory_space<vmem>>, vector<16xf32>,
    %get3A_394 = vector.shape_cast %get3A_393 : vector<16xf32> to vector<16xf32>
    %add3A_395 = arith.addf %get3A_394, %get3A_199 : vector<16xf32>
    %swap3A_396 = arith.constant 384 : index
    %swap3A_397 = tpu.vector_load %arg9[%swap3A_396] {strides = array<i32>} : memref<512xf32, #tpu.memory_space<vmem>>, vector<16xf32>,
    %swap3A_398 = vector.shape_cast %swap3A_397 : vector<16xf32> to vector<16xf32>
    %swap3A_399 = vector.shape_cast %add3A_395 : vector<16xf32> to vector<16xf32>
    tpu.vector_store %arg9[%swap3A_396], %swap3A_399 {strides = array<i32>} : memref<512xf32, #tpu.memory_space<vmem>>, vector<16xf32>,
    %get3A_400 = arith.constant 400 : index
    %get3A_401 = tpu.vector_load %arg9[%get3A_400] {strides = array<i32>} : memref<512xf32, #tpu.memory_space<vmem>>, vector<16xf32>,
    %get3A_402 = vector.shape_cast %get3A_401 : vector<16xf32> to vector<16xf32>
    %add3A_403 = arith.addf %get3A_402, %get3A_199 : vector<16xf32>
    %swap3A_404 = arith.constant 400 : index
    %swap3A_405 = tpu.vector_load %arg9[%swap3A_404] {strides = array<i32>} : memref<512xf32, #tpu.memory_space<vmem>>, vector<16xf32>,
    %swap3A_406 = vector.shape_cast %swap3A_405 : vector<16xf32> to vector<16xf32>
    %swap3A_407 = vector.shape_cast %add3A_403 : vector<16xf32> to vector<16xf32>
    tpu.vector_store %arg9[%swap3A_404], %swap3A_407 {strides = array<i32>} : memref<512xf32, #tpu.memory_space<vmem>>, vector<16xf32>,
    %get3A_408 = arith.constant 416 : index
    %get3A_409 = tpu.vector_load %arg9[%get3A_408] {strides = array<i32>} : memref<512xf32, #tpu.memory_space<vmem>>, vector<16xf32>,
    %get3A_410 = vector.shape_cast %get3A_409 : vector<16xf32> to vector<16xf32>
    %add3A_411 = arith.addf %get3A_410, %get3A_199 : vector<16xf32>
    %swap3A_412 = arith.constant 416 : index
    %swap3A_413 = tpu.vector_load %arg9[%swap3A_412] {strides = array<i32>} : memref<512xf32, #tpu.memory_space<vmem>>, vector<16xf32>,
    %swap3A_414 = vector.shape_cast %swap3A_413 : vector<16xf32> to vector<16xf32>
    %swap3A_415 = vector.shape_cast %add3A_411 : vector<16xf32> to vector<16xf32>
    tpu.vector_store %arg9[%swap3A_412], %swap3A_415 {strides = array<i32>} : memref<512xf32, #tpu.memory_space<vmem>>, vector<16xf32>,
    %get3A_416 = arith.constant 432 : index
    %get3A_417 = tpu.vector_load %arg9[%get3A_416] {strides = array<i32>} : memref<512xf32, #tpu.memory_space<vmem>>, vector<16xf32>,
    %get3A_418 = vector.shape_cast %get3A_417 : vector<16xf32> to vector<16xf32>
    %add3A_419 = arith.addf %get3A_418, %get3A_199 : vector<16xf32>
    %swap3A_420 = arith.constant 432 : index
    %swap3A_421 = tpu.vector_load %arg9[%swap3A_420] {strides = array<i32>} : memref<512xf32, #tpu.memory_space<vmem>>, vector<16xf32>,
    %swap3A_422 = vector.shape_cast %swap3A_421 : vector<16xf32> to vector<16xf32>
    %swap3A_423 = vector.shape_cast %add3A_419 : vector<16xf32> to vector<16xf32>
    tpu.vector_store %arg9[%swap3A_420], %swap3A_423 {strides = array<i32>} : memref<512xf32, #tpu.memory_space<vmem>>, vector<16xf32>,
    %get3A_424 = arith.constant 448 : index
    %get3A_425 = tpu.vector_load %arg9[%get3A_424] {strides = array<i32>} : memref<512xf32, #tpu.memory_space<vmem>>, vector<16xf32>,
    %get3A_426 = vector.shape_cast %get3A_425 : vector<16xf32> to vector<16xf32>
    %add3A_427 = arith.addf %get3A_426, %get3A_199 : vector<16xf32>
    %swap3A_428 = arith.constant 448 : index
    %swap3A_429 = tpu.vector_load %arg9[%swap3A_428] {strides = array<i32>} : memref<512xf32, #tpu.memory_space<vmem>>, vector<16xf32>,
    %swap3A_430 = vector.shape_cast %swap3A_429 : vector<16xf32> to vector<16xf32>
    %swap3A_431 = vector.shape_cast %add3A_427 : vector<16xf32> to vector<16xf32>
    tpu.vector_store %arg9[%swap3A_428], %swap3A_431 {strides = array<i32>} : memref<512xf32, #tpu.memory_space<vmem>>, vector<16xf32>,
    %get3A_432 = arith.constant 464 : index
    %get3A_433 = tpu.vector_load %arg9[%get3A_432] {strides = array<i32>} : memref<512xf32, #tpu.memory_space<vmem>>, vector<16xf32>,
    %get3A_434 = vector.shape_cast %get3A_433 : vector<16xf32> to vector<16xf32>
    %add3A_435 = arith.addf %get3A_434, %get3A_199 : vector<16xf32>
    %swap3A_436 = arith.constant 464 : index
    %swap3A_437 = tpu.vector_load %arg9[%swap3A_436] {strides = array<i32>} : memref<512xf32, #tpu.memory_space<vmem>>, vector<16xf32>,
    %swap3A_438 = vector.shape_cast %swap3A_437 : vector<16xf32> to vector<16xf32>
    %swap3A_439 = vector.shape_cast %add3A_435 : vector<16xf32> to vector<16xf32>
    tpu.vector_store %arg9[%swap3A_436], %swap3A_439 {strides = array<i32>} : memref<512xf32, #tpu.memory_space<vmem>>, vector<16xf32>,
    %get3A_440 = arith.constant 480 : index
    %get3A_441 = tpu.vector_load %arg9[%get3A_440] {strides = array<i32>} : memref<512xf32, #tpu.memory_space<vmem>>, vector<16xf32>,
    %get3A_442 = vector.shape_cast %get3A_441 : vector<16xf32> to vector<16xf32>
    %add3A_443 = arith.addf %get3A_442, %get3A_199 : vector<16xf32>
    %swap3A_444 = arith.constant 480 : index
    %swap3A_445 = tpu.vector_load %arg9[%swap3A_444] {strides = array<i32>} : memref<512xf32, #tpu.memory_space<vmem>>, vector<16xf32>,
    %swap3A_446 = vector.shape_cast %swap3A_445 : vector<16xf32> to vector<16xf32>
    %swap3A_447 = vector.shape_cast %add3A_443 : vector<16xf32> to vector<16xf32>
    tpu.vector_store %arg9[%swap3A_444], %swap3A_447 {strides = array<i32>} : memref<512xf32, #tpu.memory_space<vmem>>, vector<16xf32>,
    %get3A_448 = arith.constant 496 : index
    %get3A_449 = tpu.vector_load %arg9[%get3A_448] {strides = array<i32>} : memref<512xf32, #tpu.memory_space<vmem>>, vector<16xf32>,
    %get3A_450 = vector.shape_cast %get3A_449 : vector<16xf32> to vector<16xf32>
    %add3A_451 = arith.addf %get3A_450, %get3A_199 : vector<16xf32>
    %swap3A_452 = arith.constant 496 : index
    %swap3A_453 = tpu.vector_load %arg9[%swap3A_452] {strides = array<i32>} : memref<512xf32, #tpu.memory_space<vmem>>, vector<16xf32>,
    %swap3A_454 = vector.shape_cast %swap3A_453 : vector<16xf32> to vector<16xf32>
    %swap3A_455 = vector.shape_cast %add3A_451 : vector<16xf32> to vector<16xf32>
    tpu.vector_store %arg9[%swap3A_452], %swap3A_455 {strides = array<i32>} : memref<512xf32, #tpu.memory_space<vmem>>, vector<16xf32>,
    "tpu.region"() ({
      %run_scoped3A = tpu.sem_alloc : memref<!tpu.dma_semaphore, #tpu.memory_space<semaphore_mem>>
      %dma_start3A = tpu.memref_slice %arg5[%mul3A_2] : memref<16384xf32, #tpu.memory_space<hbm>> -> memref<512xf32, #tpu.memory_space<hbm>>
      %dma_start3A_456 = tpu.memref_slice %arg5[%mul3A_2] : memref<16384xf32, #tpu.memory_space<hbm>> -> memref<512xf32, #tpu.memory_space<hbm>>
      tpu.enqueue_dma source(%arg9 : memref<512xf32, #tpu.memory_space<vmem>>) target(%dma_start3A_456 : memref<512xf32, #tpu.memory_space<hbm>>) target_semaphore(%run_scoped3A : memref<!tpu.dma_semaphore, #tpu.memory_space<semaphore_mem>>)
      %dma_wait3A = tpu.memref_slice %arg5[%mul3A_2] : memref<16384xf32, #tpu.memory_space<hbm>> -> memref<512xf32, #tpu.memory_space<hbm>>
      %dma_wait3A_457 = tpu.memref_slice %arg5[%mul3A_2] : memref<16384xf32, #tpu.memory_space<hbm>> -> memref<512xf32, #tpu.memory_space<hbm>>
      tpu.wait_dma2 semaphore(%run_scoped3A : memref<!tpu.dma_semaphore, #tpu.memory_space<semaphore_mem>>) src(%arg9 : memref<512xf32, #tpu.memory_space<vmem>>) dst(%dma_wait3A_457 : memref<512xf32, #tpu.memory_space<hbm>>)
      tpu.yield
    }) : () -> ()
    return
  }
}

</mosaic_0001>

<sc_bundles>
// kernel: kernel.3.cloned.1.call-start
scs
__scs_entry_jumppad:
0x0: {  	(pc) =	sbr.rel $0x88, $3  }
0x1: {  	(tag) =	ssettag $0x0;
	lr =	simm.s32 $0x1  }
0x2: {  	[smem:$0x3F9E] =	sst lr;
	_ =	strace $0xD0000000  }
0x3: {  	_ = 	snop  }
0x4: {  	_ = 	snop  }
0x5: {  	_ = 	snop  }
0x6: {  	_ = 	snop  }
0x7: {  	_ = 	snop  }
__scs_overlays_trampoline_lowered:
0x8: {  	[smem:$0x3FAD] =	sst s0  }
0x9: {  	[smem:$0x3FAE] =	sst s1  }
0xa: {  	[smem:$0x3FAF] =	sst s2  }
0xb: {  	[smem:$0x3FB0] =	sst s3  }
0xc: {  	[smem:$0x3FB1] =	sst s4  }
0xd: {  	[smem:$0x3FB2] =	sst s5  }
0xe: {  	[smem:$0x3FB3] =	sst s6  }
0xf: {  	[smem:$0x3FB4] =	sst s7  }
0x10: {  	[smem:$0x3FB5] =	sst s8  }
0x11: {  	[smem:$0x3FB6] =	sst s9;
	s0 =	simm.s32 @!p0 $0x0  }
0x12: {  	s1 =	sld [smem:$0x3F9C];
	s0 =	simm.s32 @p0 $0x1  }
0x13: {  	[smem:$0x3FB7] =	sst s0;
	s0 =	simm.s32 @!p1 $0x0  }
0x14: {  	s2 =	sld [smem:$0x3F9B];
	s0 =	simm.s32 @p1 $0x1  }
0x15: {  	[smem:$0x3FB8] =	sst s0;
	s0 =	simm.s32 @!p2 $0x0  }
0x16: {  	s3 =	sld [smem:$0x3FDB];
	s0 =	simm.s32 @p2 $0x1  }
0x17: {  	s4 =	simm.s32 $0x1BF5;
	[smem:$0x3FBA] =	sst s0  }
0x18: {  	s0 =	sld [smem:$0x3F9D];
	_ =	swait.ge [sflag:s4], $0x0  }
0x19: {  	s7 =	sld [smem:$0x3F9E]  }
0x1a: {  	s8 =	sadd.s32 $0xFFFFE003, lr  }
0x1b: {  	s9 =	sadd.s32 $0xFFFFFEF7, lr;
	s5 =	simm.s32 $0xFFFFFFFF;
	p2 =	slt.u32 s8, $0xFFFFF086  }
0x1c: {  	p1 =	slt.u32 s9, $0xF7A;
	s5 =	simm.s32 @!p2 $0x0  }
0x1d: {  	s5 =	simm.s32 @p1 $0x1;
	p0 =	seq.s32 s7, s2  }
0x1e: {  	s7 =	smul.u32 @!p0 $0xF7A, s2;
	p2 =	seq.s32 @!p0 s5, $0x0  }
0x1f: {  	s9 =	smul.u32 $0xF7A, s1;
	s8 =	simm.s32 @!p0 $0x1BF5;
	p2 =	por !p2, p0  }
0x20: {  	[sflag:s8] =	ssyncset.s32 @!p0 $0xFFFFF086;
	s6 =	sadd.s32 @!p0 s3, s7;
	s7 =	simm.s32 @!p0 $0x108  }
0x21: {  	s3 =	sadd.s32 s3, s9;
	s6 =	sadd.s32 @!p0 $0x88, s6;
	s7 =	simm.s32 @p2 $0x1082  }
0x22: {  	[simem:s7], [sflag:s8] =	dma.local @!p0 [hbm:s6], $0xF7A  }
0x23: {  	s9 =	sor.u32 $0xD0000000, s2;
	s6 =	simm.s32 $0x108;
	_ =	swait.ge @!p0 [sflag:s8], $0x0  }
0x24: {  	s3 =	sadd.s32 $0x88, s3;
	s6 =	simm.s32 @!p1 $0x1082;
	[sflag:s4] =	ssyncset.s32 $0xFFFFF086  }
0x25: {  	[simem:s6], [sflag:s4] =	dma.local [hbm:s3], $0xF7A  }
0x26: {  	[smem:$0x3F9E] =	sst s1;
	(tag) =	ssettag s2;
	_ =	strace s9  }
0x27: {  	s1 =	sld [smem:$0x3FAE]  }
0x28: {  	s2 =	sld [smem:$0x3FAF]  }
0x29: {  	s4 =	sld [smem:$0x3FB1]  }
0x2a: {  	p0 =	seq.s32 s5, $0x0;
	s5 =	sld [smem:$0x3FB2]  }
0x2b: {  	s6 =	sld [smem:$0x3FB3]  }
0x2c: {  	s7 =	sld [smem:$0x3FB4]  }
0x2d: {  	s3 =	simm.s32 $0x108;
	s8 =	sld [smem:$0x3FB5]  }
0x2e: {  	s3 =	simm.s32 @!p0 $0x1082;
	s9 =	sld [smem:$0x3FB6]  }
0x2f: {  	lr =	sadd.s32 s0, s3;
	s0 =	sld [smem:$0x3FAD]  }
0x30: {  	s3 =	sld [smem:$0x3FB0]  }
0x31: {  	[smem:$0x3FB9] =	sst s10  }
0x32: {  	s10 =	sld [smem:$0x3FB7];
	_ =	sdelay $0x3  }
0x33: {  	p0 =	seq.s32 s10, $0x1;
	s10 =	sld [smem:$0x3FB9];
	_ =	sdelay $0x3  }
0x34: {  	[smem:$0x3FB9] =	sst s10  }
0x35: {  	s10 =	sld [smem:$0x3FB8];
	_ =	sdelay $0x3  }
0x36: {  	p1 =	seq.s32 s10, $0x1;
	s10 =	sld [smem:$0x3FB9];
	_ =	sdelay $0x3  }
0x37: {  	[smem:$0x3FB9] =	sst s10  }
0x38: {  	s10 =	sld [smem:$0x3FBA]  }
0x39: {  	_ = 	snop;
	(pc) =	sbr.ind lr, $3  }
0x3a: {  	_ = 	snop  }
0x3b: {  	_ = 	snop  }
0x3c: {  	p2 =	seq.s32 s10, $0x1;
	s10 =	sld [smem:$0x3FB9]  }
0x3d: {  	_ =	shalt  }
0x3e: {  	_ =	shalt  }
0x3f: {  	_ =	shalt  }
0x40: {  	_ =	shalt  }
0x41: {  	_ =	shalt  }
0x42: {  	_ =	shalt  }
0x43: {  	_ =	shalt  }
0x44: {  	_ =	shalt  }
0x45: {  	_ =	shalt  }
0x46: {  	_ =	shalt  }
0x47: {  	_ =	shalt  }
0x48: {  	_ =	shalt  }
0x49: {  	_ =	shalt  }
0x4a: {  	_ =	shalt  }
0x4b: {  	_ =	shalt  }
0x4c: {  	_ =	shalt  }
0x4d: {  	_ =	shalt  }
0x4e: {  	_ =	shalt  }
0x4f: {  	_ =	shalt  }
0x50: {  	_ =	shalt  }
0x51: {  	_ =	shalt  }
0x52: {  	_ =	shalt  }
0x53: {  	_ =	shalt  }
0x54: {  	_ =	shalt  }
0x55: {  	_ =	shalt  }
0x56: {  	_ =	shalt  }
0x57: {  	_ =	shalt  }
0x58: {  	_ =	shalt  }
0x59: {  	_ =	shalt  }
0x5a: {  	_ =	shalt  }
0x5b: {  	_ =	shalt  }
0x5c: {  	_ =	shalt  }
0x5d: {  	_ =	shalt  }
0x5e: {  	_ =	shalt  }
0x5f: {  	_ =	shalt  }
0x60: {  	_ =	shalt  }
0x61: {  	_ =	shalt  }
0x62: {  	_ =	shalt  }
0x63: {  	_ =	shalt  }
0x64: {  	_ =	shalt  }
0x65: {  	_ =	shalt  }
0x66: {  	_ =	shalt  }
0x67: {  	_ =	shalt  }
0x68: {  	_ =	shalt  }
0x69: {  	_ =	shalt  }
0x6a: {  	_ =	shalt  }
0x6b: {  	_ =	shalt  }
0x6c: {  	_ =	shalt  }
0x6d: {  	_ =	shalt  }
0x6e: {  	_ =	shalt  }
0x6f: {  	_ =	shalt  }
0x70: {  	_ =	shalt  }
0x71: {  	_ =	shalt  }
0x72: {  	_ =	shalt  }
0x73: {  	_ =	shalt  }
0x74: {  	_ =	shalt  }
0x75: {  	_ =	shalt  }
0x76: {  	_ =	shalt  }
0x77: {  	_ =	shalt  }
0x78: {  	_ =	shalt  }
0x79: {  	_ =	shalt  }
0x7a: {  	_ =	shalt  }
0x7b: {  	_ =	shalt  }
0x7c: {  	_ =	shalt  }
0x7d: {  	_ =	shalt  }
0x7e: {  	_ =	shalt  }
0x7f: {  	_ =	shalt  }
0x80: {  	_ =	shalt  }
0x81: {  	_ =	shalt  }
0x82: {  	_ =	shalt  }
0x83: {  	_ =	shalt  }
0x84: {  	_ =	shalt  }
0x85: {  	_ =	shalt  }
0x86: {  	_ =	shalt  }
0x87: {  	_ =	shalt  }
.Lfunc_end0:
.L_simem_size_0:
called_computation_lowered:
.L_overlay_start_0:
0x88: {  	s2 =	sld [smem:$0x3FD9]  }
0x89: {  	s3 =	sld [smem:$0x3FFE];
	_ =	sdelay $0x1  }
0x8a: {  	s1 =	srdreg.scid  }
0x8b: {  	s0 =	sand.u32 $0x1, s1  }
0x8c: {  	s17 =	sshll.u32 s0, $0xA;
	s2 =	sadd.s32 s3, s2  }
0x8d: {  	s2 =	sadd.s32 s2, s17  }
0x8e: {  	[smem:$0x3FC5] =	sst s2  }
0x8f: {  	_ = 	snop  }
0x90: {  	s2 =	sld [smem:$0x3FC9]  }
0x91: {  	s18 =	sld [smem:$0x3FD0];
	(tm) =	ssettm $0x1  }
0x92: {  	s4 =	sld [smem:$0x3FFB];
	_ =	sdelay $0x3  }
0x93: {  	_ =	strace s4  }
0x94: {  	s4 =	sld [smem:$0x3FFC];
	_ =	sdelay $0x3  }
0x95: {  	_ =	strace s4  }
0x96: {  	s4 =	sld [smem:$0x3FFD];
	_ =	sdelay $0x3  }
0x97: {  	_ =	strace s4  }
0x98: {  	_ =	strace $0x8FFFFFFF  }
0x99: {  	s19 =	sld [smem:$0x3FDB];
	_ =	sdelay $0x1  }
0x9a: {  	s5 =	simm.s32 $_scs_section_size  }
0x9b: {  	s6 =	simm.s32 $_size__tile_overlayer_lowered;
	s7 =	simm.s32 $_tile_overlayer_lowered  }
0x9c: {  	s22 =	simm.s32 $0x1BFF;
	s21 =	sshll.u32 s7, $0x1;
	s4 =	sadd.s32 s5, s19  }
0x9d: {  	s8 =	simm.s32 $0x0;
	s20 =	sshll.u32 s6, $0x1;
	s6 =	sadd.s32 s21, s4  }
0x9e: {  	[timem:s8], [sflag:s22] =	dma.local [hbm:s6], s20  }
0x9f: {  	_ =	swait.ge [sflag:s22], s20  }
0xa0: {  	s5 =	ssub.s32 $0x0, s20;
	[sflag:s22] =	ssyncset.done $0x0  }
0xa1: {  	[sflag:s22] =	ssyncadd.s32 s5;
	_ =	sdelay $0x1  }
0xa2: {  	s23 =	simm.s32 $0x1B8B  }
0xa3: {  	_ =	swait.ge [sflag:s23], $0x1  }
0xa4: {  	[sflag:s23] =	ssyncset.done $0x0  }
0xa5: {  	s25 =	simm.s32 $0x1B8E;
	s24 =	sld [smem:$0x3FFE];
	[sflag:s23] =	ssyncadd.s32 $0xFFFFFFFF  }
0xa6: {  	s26 =	simm.s32 $execute0_lowered;
	[smem:$0x3FD2] =	sst s25  }
0xa7: {  	s6 =	sshll.u32 s26, $0x1;
	_ =	strace $0x80000046;
	[dreg:$0x1] =	wrdreg $0xFFFFFFFF  }
0xa8: {  	s28 =	simm.s32 $_size_execute0_lowered;
	s4 =	sadd.s32 s4, s6;
	[dreg:$0x0] =	wrdreg $0x0  }
0xa9: {  	s6 =	sshll.u32 s28, $0x1;
	[dreg:$0x2] =	wrdreg s4  }
0xaa: {  	[dreg:$0x3] =	wrdreg s6  }
0xab: {  	[dreg:$0x4] =	wrdreg $0xC0  }
0xac: {  	_ =	task [dreg:s8], $0x5FFFF  }
0xad: {  	[dreg:$0x1] =	wrdreg $0xFFFFFFFF  }
0xae: {  	[dreg:$0x0] =	wrdreg $0x60  }
0xaf: {  	[dreg:$0x2] =	wrdreg s2  }
0xb0: {  	[dreg:$0x3] =	wrdreg s24  }
0xb1: {  	[dreg:$0x4] =	wrdreg s18  }
0xb2: {  	[dreg:$0x5] =	wrdreg $0x9  }
0xb3: {  	_ =	task.clear_ibuf [dreg:s8], $0x6FFFF;
	_ =	strace $0x90000046  }
0xb4: {  	s29 =	simm.s32 $0x9;
	_ =	strace $0x80000048  }
0xb5: {  	_ =	swait.ge [sflag:s29], $0x1  }
0xb6: {  	[sflag:s29] =	ssyncadd.s32 $0xFFFFFFFF  }
0xb7: {  	_ =	strace $0x90000048  }
0xb8: {  	_ =	sfence  }
0xb9: {  	s30 =	sld [smem:$0x0];
	_ =	sdelay $0x2  }
0xba: {  	s31 =	sshll.u32 s1, $0xD;
	s1 =	sshrl.u32 s1, $0x2  }
0xbb: {  	s3 =	sand.u32 $0x4000, s31;
	s1 =	sadd.s32 s1, s30  }
0xbc: {  	s0 =	sor.u32 s3, s0;
	s1 =	sshll.u32 s1, $0x11  }
0xbd: {  	s0 =	sor.u32 s1, s0  }
0xbe: {  	s0 =	sadd.s32 $0x8F2B, s0  }
0xbf: {  	[sflag:s0] =	ssyncadd.remote.s32 $0x1  }
0xc0: {  	_ =	sfence.sel $0xFFFF  }
0xc1: {  	[dreg:$0x0] =	wrdreg $0xFFFFFFFF;
	(pc) =	sbr.abs _section_cstart, $3  }
0xc2: {  	[dreg:$0x1] =	wrdreg $0xFFFFFFFF  }
0xc3: {  	_ =	task.clear_ibuf [dreg:s8], $0x2FFFF;
	_ =	strace $0x9FFFFFFF  }
0xc4: {  	(tm) =	ssettm $0x7FFFFFFF  }
0xc5: {  	_ =	shalt  }
tec
execute0_lowered:
.L_overlay_start_1:
0x0: {  	(tag) =	ssettag $0x1  }
0x1: {  	s5 =	rddreg [dreg:$0x0]  }
0x2: {  	s1 =	rddreg [dreg:$0x1]  }
0x3: {  	s6 =	rddreg [dreg:$0x2]  }
0x4: {  	s0 =	rddreg [dreg:$0x3]  }
0x5: {  	s3 =	simm.s32 $0x0;
	s4 =	srdreg.scid;
	s2 =	stileid.u32  }
0x6: {  	s11 =	simm.s32 $0x4600;
	s12 =	simm.s32 $0x80;
	s13 =	simm.s32 $0x4000  }
0x7: {  	s14 =	simm.s32 $0x4200;
	s15 =	simm.s32 $0x4080;
	s16 =	simm.s32 $0x4280  }
0x8: {  	s17 =	simm.s32 $0x4100;
	s18 =	simm.s32 $0x4300;
	s19 =	simm.s32 $0x4180  }
0x9: {  	s20 =	simm.s32 $0x4380;
	s21 =	simm.s32 $0x1;
	s22 =	simm.s32 $0x4400  }
0xa: {  	s23 =	simm.s32 $0x0;
	[smem:$0x7FF] =	sst s3;
	s4 =	sand.u32 $0x1, s4  }
0xb: {  	s8 =	sshll.u32 s2, $0xA;
	_ =	strace $0x80000047;
	s7 =	ssub.s32 $0x2, s4  }
0xc: {  	s9 =	sshll.u32 s4, $0x9;
	s4 =	sadd.s32 $0x4F600, s1;
	s10 =	sshrl.u32 s7, $0x1  }
0xd: {  	s8 =	sor.u32 s9, s8;
	s9 =	simm.s32 $0x20000;
	s7 =	ssub.s32 s7, s10  }
0xe: {  	s5 =	sadd.s32 s5, s8;
	s8 =	sshrl.u32 s8, $0x3;
	s10 =	simm.s32 $0x2  }
0xf: {  	v0 =	vimm.f32 $0.0e+00;
	s6 =	sadd.s32 s6, s8;
	s7 =	smax.u32 s7, $0x1;
	s8 =	simm.s32 $0x1000  }
.LBB2_1:
0x10: {  	[tilespmem:s3], [sflag:$0x2] =	stream.strided.gather [hbm4b:s5+s8], $0x4000, s9, s8, $0x38;
	[tilespmem:$0x4680] =	vst v63  }
0x11: {  	_ =	swait.ge [sflag:s10], $0x4000  }
0x12: {  	[sflag:s10] =	ssyncset.done $0x0  }
0x13: {  	[sflag:s10] =	ssyncadd.s32 $0xFFFFC000  }
0x14: {  	[tilespmem:s11], [sflag:$0x2] =	stream.linear.gather [hbm4b:s4+s3], $0x80, $0x38;
	[tilespmem:$0x4680] =	vst v63  }
0x15: {  	_ =	swait.ge [sflag:s10], $0x80  }
0x16: {  	[sflag:s10] =	ssyncset.done $0x0  }
0x17: {  	[sflag:s10] =	ssyncadd.s32 $0xFFFFFF80  }
0x18: {  	[tilespmem:$0x4400] =	vst v0  }
0x19: {  	[tilespmem:$0x4410] =	vst v0  }
0x1a: {  	[tilespmem:$0x4420] =	vst v0  }
0x1b: {  	[tilespmem:$0x4430] =	vst v0  }
0x1c: {  	[tilespmem:$0x4440] =	vst v0  }
0x1d: {  	[tilespmem:$0x4450] =	vst v0  }
0x1e: {  	[tilespmem:$0x4460] =	vst v0  }
0x1f: {  	[tilespmem:$0x4470] =	vst v0  }
0x20: {  	[tilespmem:$0x4480] =	vst v0  }
0x21: {  	[tilespmem:$0x4490] =	vst v0  }
0x22: {  	[tilespmem:$0x44A0] =	vst v0  }
0x23: {  	[tilespmem:$0x44B0] =	vst v0  }
0x24: {  	[tilespmem:$0x44C0] =	vst v0  }
0x25: {  	[tilespmem:$0x44D0] =	vst v0  }
0x26: {  	[tilespmem:$0x44E0] =	vst v0  }
0x27: {  	[tilespmem:$0x44F0] =	vst v0  }
0x28: {  	[tilespmem:$0x4500] =	vst v0  }
0x29: {  	[tilespmem:$0x4510] =	vst v0  }
0x2a: {  	[tilespmem:$0x4520] =	vst v0  }
0x2b: {  	[tilespmem:$0x4530] =	vst v0  }
0x2c: {  	[tilespmem:$0x4540] =	vst v0  }
0x2d: {  	[tilespmem:$0x4550] =	vst v0  }
0x2e: {  	[tilespmem:$0x4560] =	vst v0  }
0x2f: {  	[tilespmem:$0x4570] =	vst v0  }
0x30: {  	[tilespmem:$0x4580] =	vst v0  }
0x31: {  	[tilespmem:$0x4590] =	vst v0  }
0x32: {  	[tilespmem:$0x45A0] =	vst v0  }
0x33: {  	[tilespmem:$0x45B0] =	vst v0  }
0x34: {  	[tilespmem:$0x45C0] =	vst v0  }
0x35: {  	[tilespmem:$0x45D0] =	vst v0  }
0x36: {  	[tilespmem:$0x45E0] =	vst v0  }
0x37: {  	s24 =	simm.s32 $0x0;
	s25 =	simm.s32 $0x0;
	s26 =	simm.s32 $0x0;
	[tilespmem:$0x45F0] =	vst v0  }
.LBB2_2:
0x38: {  	s28 =	sand.u32 $0x3000, s24;
	s29 =	sand.u32 $0x380, s25  }
0x39: {  	s28 =	sor.u32 s29, s28  }
0x3a: {  	v1 =	vld [tilespmem:s28+$0x0];
	_ =	sdelay $0x4  }
0x3b: {  	v1 =	vadd.s32 s26, v1  }
0x3c: {  	[tilespmem:$0x4000] =	vst v1  }
0x3d: {  	v1 =	vld [tilespmem:s28+$0x10];
	_ =	sdelay $0x4  }
0x3e: {  	v1 =	vadd.s32 s26, v1  }
0x3f: {  	[tilespmem:$0x4010] =	vst v1  }
0x40: {  	v1 =	vld [tilespmem:s28+$0x20];
	_ =	sdelay $0x4  }
0x41: {  	v1 =	vadd.s32 s26, v1  }
0x42: {  	[tilespmem:$0x4020] =	vst v1  }
0x43: {  	v1 =	vld [tilespmem:s28+$0x30];
	_ =	sdelay $0x4  }
0x44: {  	v1 =	vadd.s32 s26, v1  }
0x45: {  	[tilespmem:$0x4030] =	vst v1  }
0x46: {  	v1 =	vld [tilespmem:s28+$0x40];
	_ =	sdelay $0x4  }
0x47: {  	v1 =	vadd.s32 s26, v1  }
0x48: {  	[tilespmem:$0x4040] =	vst v1  }
0x49: {  	v1 =	vld [tilespmem:s28+$0x50];
	_ =	sdelay $0x4  }
0x4a: {  	v1 =	vadd.s32 s26, v1  }
0x4b: {  	[tilespmem:$0x4050] =	vst v1  }
0x4c: {  	v1 =	vld [tilespmem:s28+$0x60];
	_ =	sdelay $0x4  }
0x4d: {  	v1 =	vadd.s32 s26, v1  }
0x4e: {  	[tilespmem:$0x4060] =	vst v1  }
0x4f: {  	v1 =	vld [tilespmem:s28+$0x70];
	_ =	sdelay $0x4  }
0x50: {  	v1 =	vadd.s32 s26, v1  }
0x51: {  	[tilespmem:$0x4070] =	vst v1  }
0x52: {  	v1 =	vld [tilespmem:s28+$0x400];
	_ =	sdelay $0x4  }
0x53: {  	v1 =	vadd.s32 s26, v1  }
0x54: {  	[tilespmem:$0x4080] =	vst v1  }
0x55: {  	v1 =	vld [tilespmem:s28+$0x410];
	_ =	sdelay $0x4  }
0x56: {  	v1 =	vadd.s32 s26, v1  }
0x57: {  	[tilespmem:$0x4090] =	vst v1  }
0x58: {  	v1 =	vld [tilespmem:s28+$0x420];
	_ =	sdelay $0x4  }
0x59: {  	v1 =	vadd.s32 s26, v1  }
0x5a: {  	[tilespmem:$0x40A0] =	vst v1  }
0x5b: {  	v1 =	vld [tilespmem:s28+$0x430];
	_ =	sdelay $0x4  }
0x5c: {  	v1 =	vadd.s32 s26, v1  }
0x5d: {  	[tilespmem:$0x40B0] =	vst v1  }
0x5e: {  	v1 =	vld [tilespmem:s28+$0x440];
	_ =	sdelay $0x4  }
0x5f: {  	v1 =	vadd.s32 s26, v1  }
0x60: {  	[tilespmem:$0x40C0] =	vst v1  }
0x61: {  	v1 =	vld [tilespmem:s28+$0x450];
	_ =	sdelay $0x4  }
0x62: {  	v1 =	vadd.s32 s26, v1  }
0x63: {  	[tilespmem:$0x40D0] =	vst v1  }
0x64: {  	v1 =	vld [tilespmem:s28+$0x460];
	_ =	sdelay $0x4  }
0x65: {  	v1 =	vadd.s32 s26, v1  }
0x66: {  	[tilespmem:$0x40E0] =	vst v1  }
0x67: {  	v1 =	vld [tilespmem:s28+$0x470];
	_ =	sdelay $0x4  }
0x68: {  	v1 =	vadd.s32 s26, v1  }
0x69: {  	[tilespmem:$0x40F0] =	vst v1  }
0x6a: {  	v1 =	vld [tilespmem:s28+$0x800];
	_ =	sdelay $0x4  }
0x6b: {  	v1 =	vadd.s32 s26, v1  }
0x6c: {  	[tilespmem:$0x4100] =	vst v1  }
0x6d: {  	v1 =	vld [tilespmem:s28+$0x810];
	_ =	sdelay $0x4  }
0x6e: {  	v1 =	vadd.s32 s26, v1  }
0x6f: {  	[tilespmem:$0x4110] =	vst v1  }
0x70: {  	v1 =	vld [tilespmem:s28+$0x820];
	_ =	sdelay $0x4  }
0x71: {  	v1 =	vadd.s32 s26, v1  }
0x72: {  	[tilespmem:$0x4120] =	vst v1  }
0x73: {  	v1 =	vld [tilespmem:s28+$0x830];
	_ =	sdelay $0x4  }
0x74: {  	v1 =	vadd.s32 s26, v1  }
0x75: {  	[tilespmem:$0x4130] =	vst v1  }
0x76: {  	v1 =	vld [tilespmem:s28+$0x840];
	_ =	sdelay $0x4  }
0x77: {  	v1 =	vadd.s32 s26, v1  }
0x78: {  	[tilespmem:$0x4140] =	vst v1  }
0x79: {  	v1 =	vld [tilespmem:s28+$0x850];
	_ =	sdelay $0x4  }
0x7a: {  	v1 =	vadd.s32 s26, v1  }
0x7b: {  	[tilespmem:$0x4150] =	vst v1  }
0x7c: {  	v1 =	vld [tilespmem:s28+$0x860];
	_ =	sdelay $0x4  }
0x7d: {  	v1 =	vadd.s32 s26, v1  }
0x7e: {  	[tilespmem:$0x4160] =	vst v1  }
0x7f: {  	v1 =	vld [tilespmem:s28+$0x870];
	_ =	sdelay $0x4  }
0x80: {  	v1 =	vadd.s32 s26, v1  }
0x81: {  	[tilespmem:$0x4170] =	vst v1  }
0x82: {  	v1 =	vld [tilespmem:s28+$0xC00];
	_ =	sdelay $0x4  }
0x83: {  	v1 =	vadd.s32 s26, v1  }
0x84: {  	[tilespmem:$0x4180] =	vst v1  }
0x85: {  	v1 =	vld [tilespmem:s28+$0xC10];
	_ =	sdelay $0x4  }
0x86: {  	v1 =	vadd.s32 s26, v1  }
0x87: {  	[tilespmem:$0x4190] =	vst v1  }
0x88: {  	v1 =	vld [tilespmem:s28+$0xC20];
	_ =	sdelay $0x4  }
0x89: {  	v1 =	vadd.s32 s26, v1  }
0x8a: {  	[tilespmem:$0x41A0] =	vst v1  }
0x8b: {  	v1 =	vld [tilespmem:s28+$0xC30];
	_ =	sdelay $0x4  }
0x8c: {  	v1 =	vadd.s32 s26, v1  }
0x8d: {  	[tilespmem:$0x41B0] =	vst v1  }
0x8e: {  	v1 =	vld [tilespmem:s28+$0xC40];
	_ =	sdelay $0x4  }
0x8f: {  	v1 =	vadd.s32 s26, v1  }
0x90: {  	[tilespmem:$0x41C0] =	vst v1  }
0x91: {  	v1 =	vld [tilespmem:s28+$0xC50];
	_ =	sdelay $0x4  }
0x92: {  	v1 =	vadd.s32 s26, v1  }
0x93: {  	[tilespmem:$0x41D0] =	vst v1  }
0x94: {  	v1 =	vld [tilespmem:s28+$0xC60];
	_ =	sdelay $0x4  }
0x95: {  	v1 =	vadd.s32 s26, v1  }
0x96: {  	[tilespmem:$0x41E0] =	vst v1  }
0x97: {  	v1 =	vld [tilespmem:s28+$0xC70];
	_ =	sdelay $0x4  }
0x98: {  	v1 =	vadd.s32 s26, v1  }
0x99: {  	[tilespmem:$0x41F0] =	vst v1  }
0x9a: {  	[tilespmem:s14], [sflag:$0x1] =	stream.indirect.gather [hbm4b:s1+s12], $0x1, s13, s12, $0xb8;
	[tilespmem:$0x4680] =	vst v63  }
0x9b: {  	_ = 	snop  }
0x9c: {  	[tilespmem:s16], [sflag:$0x1] =	stream.indirect.gather [hbm4b:s1+s12], $0x1, s15, s12, $0xb8;
	[tilespmem:$0x4680] =	vst v63  }
0x9d: {  	_ = 	snop  }
0x9e: {  	[tilespmem:s18], [sflag:$0x1] =	stream.indirect.gather [hbm4b:s1+s12], $0x1, s17, s12, $0xb8;
	[tilespmem:$0x4680] =	vst v63  }
0x9f: {  	_ = 	snop  }
0xa0: {  	[tilespmem:s20], [sflag:$0x1] =	stream.indirect.gather [hbm4b:s1+s12], $0x1, s19, s12, $0xb8;
	[tilespmem:$0x4680] =	vst v63  }
0xa1: {  	_ =	swait.ge [sflag:s21], $0x80  }
0xa2: {  	[sflag:s21] =	ssyncset.done $0x0  }
0xa3: {  	[sflag:s21] =	ssyncadd.s32 $0xFFFFFF80  }
0xa4: {  	_ =	swait.ge [sflag:s21], $0x80  }
0xa5: {  	[sflag:s21] =	ssyncset.done $0x0  }
0xa6: {  	[sflag:s21] =	ssyncadd.s32 $0xFFFFFF80  }
0xa7: {  	_ =	swait.ge [sflag:s21], $0x80  }
0xa8: {  	[sflag:s21] =	ssyncset.done $0x0  }
0xa9: {  	[sflag:s21] =	ssyncadd.s32 $0xFFFFFF80  }
0xaa: {  	_ =	swait.ge [sflag:s21], $0x80  }
0xab: {  	[sflag:s21] =	ssyncset.done $0x0  }
0xac: {  	[sflag:s21] =	ssyncadd.s32 $0xFFFFFF80  }
0xad: {  	v1 =	vld [tilespmem:$0x4400]  }
0xae: {  	v2 =	vld [tilespmem:$0x4200]  }
0xaf: {  	v3 =	vld [tilespmem:$0x4410]  }
0xb0: {  	v4 =	vld [tilespmem:$0x4210]  }
0xb1: {  	v5 =	vld [tilespmem:$0x4420]  }
0xb2: {  	v6 =	vld [tilespmem:$0x4220]  }
0xb3: {  	v7 =	vld [tilespmem:$0x4430]  }
0xb4: {  	v8 =	vld [tilespmem:$0x4230]  }
0xb5: {  	v9 =	vld [tilespmem:$0x4440]  }
0xb6: {  	v10 =	vld [tilespmem:$0x4240]  }
0xb7: {  	v11 =	vld [tilespmem:$0x4450]  }
0xb8: {  	v12 =	vld [tilespmem:$0x4250]  }
0xb9: {  	v13 =	vld [tilespmem:$0x4460]  }
0xba: {  	v14 =	vld [tilespmem:$0x4260]  }
0xbb: {  	v15 =	vld [tilespmem:$0x4470]  }
0xbc: {  	v16 =	vld [tilespmem:$0x4270]  }
0xbd: {  	v17 =	vld [tilespmem:$0x4480]  }
0xbe: {  	v18 =	vld [tilespmem:$0x4280]  }
0xbf: {  	v19 =	vld [tilespmem:$0x4490]  }
0xc0: {  	v20 =	vld [tilespmem:$0x4290]  }
0xc1: {  	v21 =	vld [tilespmem:$0x44A0]  }
0xc2: {  	v22 =	vld [tilespmem:$0x42A0]  }
0xc3: {  	v23 =	vld [tilespmem:$0x44B0]  }
0xc4: {  	v24 =	vld [tilespmem:$0x42B0]  }
0xc5: {  	v25 =	vld [tilespmem:$0x44C0]  }
0xc6: {  	v26 =	vld [tilespmem:$0x42C0]  }
0xc7: {  	v27 =	vld [tilespmem:$0x44D0]  }
0xc8: {  	v28 =	vld [tilespmem:$0x42D0]  }
0xc9: {  	v29 =	vld [tilespmem:$0x44E0]  }
0xca: {  	v30 =	vld [tilespmem:$0x42E0]  }
0xcb: {  	v31 =	vld [tilespmem:$0x44F0]  }
0xcc: {  	v32 =	vld [tilespmem:$0x42F0]  }
0xcd: {  	v33 =	vld [tilespmem:$0x4500]  }
0xce: {  	v34 =	vld [tilespmem:$0x4300]  }
0xcf: {  	v35 =	vld [tilespmem:$0x4510]  }
0xd0: {  	v36 =	vld [tilespmem:$0x4310]  }
0xd1: {  	v37 =	vld [tilespmem:$0x4520]  }
0xd2: {  	v38 =	vld [tilespmem:$0x4320];
	v1 =	vadd.f32 v2, v1  }
0xd3: {  	v39 =	vld [tilespmem:$0x4530];
	v2 =	vadd.f32 v4, v3  }
0xd4: {  	v40 =	vld [tilespmem:$0x4330];
	v3 =	vadd.f32 v22, v21;
	[tilespmem:$0x4400] =	vst v1  }
0xd5: {  	v41 =	vld [tilespmem:$0x4540];
	v4 =	vadd.f32 v24, v23;
	[tilespmem:$0x4410] =	vst v2  }
0xd6: {  	v42 =	vld [tilespmem:$0x4340];
	v1 =	vadd.f32 v6, v5;
	[tilespmem:$0x44A0] =	vst v3  }
0xd7: {  	v43 =	vld [tilespmem:$0x4550];
	v2 =	vadd.f32 v8, v7;
	[tilespmem:$0x44B0] =	vst v4  }
0xd8: {  	v58 =	vld [tilespmem:$0x43C0];
	v5 =	vadd.f32 v26, v25;
	[tilespmem:$0x4420] =	vst v1  }
0xd9: {  	v59 =	vld [tilespmem:$0x45D0];
	v6 =	vadd.f32 v28, v27;
	[tilespmem:$0x4430] =	vst v2  }
0xda: {  	v60 =	vld [tilespmem:$0x43D0];
	v7 =	vadd.f32 v30, v29;
	[tilespmem:$0x44C0] =	vst v5  }
0xdb: {  	v61 =	vld [tilespmem:$0x45E0];
	v8 =	vadd.f32 v32, v31;
	[tilespmem:$0x44D0] =	vst v6  }
0xdc: {  	v21 =	vld [tilespmem:$0x4590];
	v1 =	vadd.f32 v10, v9;
	[tilespmem:$0x44E0] =	vst v7  }
0xdd: {  	v22 =	vld [tilespmem:$0x4390];
	v2 =	vadd.f32 v12, v11;
	[tilespmem:$0x44F0] =	vst v8  }
0xde: {  	v23 =	vld [tilespmem:$0x45A0];
	v9 =	vadd.f32 v34, v33;
	[tilespmem:$0x4440] =	vst v1  }
0xdf: {  	v10 =	vadd.f32 v36, v35;
	v1 =	vadd.f32 v14, v13;
	v14 =	vld [tilespmem:$0x4350];
	[tilespmem:$0x4450] =	vst v2  }
0xe0: {  	v2 =	vadd.f32 v16, v15;
	v15 =	vld [tilespmem:$0x4560];
	[tilespmem:$0x4500] =	vst v9  }
0xe1: {  	v11 =	vadd.f32 v38, v37;
	v16 =	vld [tilespmem:$0x4360];
	[tilespmem:$0x4510] =	vst v10  }
0xe2: {  	[tilespmem:$0x4460] =	vst v1;
	v1 =	vadd.f32 v18, v17;
	v17 =	vld [tilespmem:$0x4570]  }
0xe3: {  	v12 =	vadd.f32 v40, v39;
	[tilespmem:$0x4520] =	vst v11;
	v18 =	vld [tilespmem:$0x4370]  }
0xe4: {  	v13 =	vadd.f32 v42, v41;
	[tilespmem:$0x4470] =	vst v2;
	v2 =	vadd.f32 v20, v19;
	v19 =	vld [tilespmem:$0x4580]  }
0xe5: {  	[tilespmem:$0x4530] =	vst v12;
	v20 =	vld [tilespmem:$0x4380]  }
0xe6: {  	v24 =	vld [tilespmem:$0x43A0];
	[tilespmem:$0x4540] =	vst v13  }
0xe7: {  	v25 =	vld [tilespmem:$0x45B0];
	[tilespmem:$0x4480] =	vst v1;
	v14 =	vadd.f32 v14, v43  }
0xe8: {  	v26 =	vld [tilespmem:$0x43B0];
	[tilespmem:$0x4490] =	vst v2;
	v15 =	vadd.f32 v16, v15  }
0xe9: {  	v27 =	vld [tilespmem:$0x45C0];
	[tilespmem:$0x4550] =	vst v14;
	v16 =	vadd.f32 v18, v17  }
0xea: {  	v62 =	vld [tilespmem:$0x43E0];
	[tilespmem:$0x4560] =	vst v15;
	v17 =	vadd.f32 v20, v19  }
0xeb: {  	v63 =	vld [tilespmem:$0x45F0];
	v18 =	vadd.f32 v22, v21;
	[tilespmem:$0x4570] =	vst v16  }
0xec: {  	v19 =	vadd.f32 v24, v23;
	v24 =	vld [tilespmem:$0x43F0];
	[tilespmem:$0x4580] =	vst v17  }
0xed: {  	v20 =	vadd.f32 v26, v25;
	[tilespmem:$0x4590] =	vst v18  }
0xee: {  	p0 =	sne.s32 s26, $0x2625A0;
	v21 =	vadd.f32 v58, v27;
	[tilespmem:$0x45A0] =	vst v19  }
.Ltmp0:
0xef: {  	v22 =	vadd.f32 v60, v59;
	[tilespmem:$0x45B0] =	vst v20;
	(pc) =	sbr.rel @p0 .LBB2_2-.Ltmp0, $4  }
0xf0: {  	v23 =	vadd.f32 v62, v61;
	[tilespmem:$0x45C0] =	vst v21  }
0xf1: {  	[tilespmem:$0x45D0] =	vst v22;
	v24 =	vadd.f32 v24, v63  }
0xf2: {  	[tilespmem:$0x45E0] =	vst v23  }
0xf3: {  	s25 =	sadd.s32 $0x80, s25;
	s24 =	sadd.s32 $0x200, s24;
	s26 =	sadd.s32 $0x186A0, s26;
	[tilespmem:$0x45F0] =	vst v24  }
0xf4: {  	v25 =	vld [tilespmem:$0x4600]  }
0xf5: {  	v26 =	vld [tilespmem:$0x4400]  }
0xf6: {  	v27 =	vld [tilespmem:$0x4410]  }
0xf7: {  	v28 =	vld [tilespmem:$0x4420]  }
0xf8: {  	v29 =	vld [tilespmem:$0x4430]  }
0xf9: {  	v30 =	vld [tilespmem:$0x4440]  }
0xfa: {  	v31 =	vld [tilespmem:$0x4450];
	v26 =	vadd.f32 v26, v25  }
0xfb: {  	v32 =	vld [tilespmem:$0x4460];
	v27 =	vadd.f32 v27, v25  }
0xfc: {  	v58 =	vld [tilespmem:$0x4470];
	v57 =	vadd.f32 v28, v25;
	[tilespmem:$0x4400] =	vst v26  }
0xfd: {  	v59 =	vadd.f32 v29, v25;
	[tilespmem:$0x4410] =	vst v27  }
0xfe: {  	v60 =	vadd.f32 v30, v25;
	[tilespmem:$0x4420] =	vst v57  }
0xff: {  	v61 =	vadd.f32 v31, v25;
	[tilespmem:$0x4430] =	vst v59  }
0x100: {  	v62 =	vadd.f32 v32, v25;
	[tilespmem:$0x4440] =	vst v60  }
0x101: {  	v63 =	vadd.f32 v58, v25;
	[tilespmem:$0x4450] =	vst v61  }
0x102: {  	v1 =	vadd.f32 v1, v25;
	[tilespmem:$0x4460] =	vst v62  }
0x103: {  	v2 =	vadd.f32 v2, v25;
	[tilespmem:$0x4470] =	vst v63  }
0x104: {  	[tilespmem:$0x4480] =	vst v1;
	v1 =	vadd.f32 v3, v25  }
0x105: {  	[tilespmem:$0x4490] =	vst v2;
	v2 =	vadd.f32 v4, v25  }
0x106: {  	[tilespmem:$0x44A0] =	vst v1;
	v1 =	vadd.f32 v5, v25  }
0x107: {  	[tilespmem:$0x44B0] =	vst v2;
	v2 =	vadd.f32 v6, v25  }
0x108: {  	[tilespmem:$0x44C0] =	vst v1;
	v1 =	vadd.f32 v7, v25  }
0x109: {  	[tilespmem:$0x44D0] =	vst v2;
	v2 =	vadd.f32 v8, v25  }
0x10a: {  	[tilespmem:$0x44E0] =	vst v1;
	v1 =	vadd.f32 v9, v25  }
0x10b: {  	[tilespmem:$0x44F0] =	vst v2;
	v2 =	vadd.f32 v10, v25  }
0x10c: {  	[tilespmem:$0x4500] =	vst v1;
	v1 =	vadd.f32 v11, v25  }
0x10d: {  	[tilespmem:$0x4510] =	vst v2;
	v2 =	vadd.f32 v12, v25  }
0x10e: {  	[tilespmem:$0x4520] =	vst v1;
	v1 =	vadd.f32 v13, v25  }
0x10f: {  	[tilespmem:$0x4530] =	vst v2;
	v2 =	vadd.f32 v14, v25  }
0x110: {  	[tilespmem:$0x4540] =	vst v1;
	v1 =	vadd.f32 v15, v25  }
0x111: {  	[tilespmem:$0x4550] =	vst v2;
	v2 =	vadd.f32 v16, v25  }
0x112: {  	[tilespmem:$0x4560] =	vst v1;
	v1 =	vadd.f32 v17, v25  }
0x113: {  	[tilespmem:$0x4570] =	vst v2;
	v2 =	vadd.f32 v18, v25  }
0x114: {  	[tilespmem:$0x4580] =	vst v1;
	v1 =	vadd.f32 v19, v25  }
0x115: {  	[tilespmem:$0x4590] =	vst v2;
	v2 =	vadd.f32 v20, v25  }
0x116: {  	[tilespmem:$0x45A0] =	vst v1;
	v1 =	vadd.f32 v21, v25  }
0x117: {  	[tilespmem:$0x45B0] =	vst v2;
	v2 =	vadd.f32 v22, v25  }
0x118: {  	[tilespmem:$0x45C0] =	vst v1;
	v1 =	vadd.f32 v23, v25  }
0x119: {  	s23 =	sadd.s32 $0x1, s23;
	[tilespmem:$0x45D0] =	vst v2;
	v2 =	vadd.f32 v24, v25  }
0x11a: {  	p0 =	sne.s32 s23, s7;
	[tilespmem:$0x45E0] =	vst v1  }
.Ltmp1:
0x11b: {  	[tilespmem:$0x45F0] =	vst v2;
	(pc) =	sbr.rel @p0 .LBB2_1-.Ltmp1, $4  }
0x11c: {  	[hbm4b:s6+s3] =	stream.linear.scatter [tilespmem:s22], [sflag:$0x2], $0x200, $0x38;
	[tilespmem:$0x4680] =	vst v63  }
0x11d: {  	_ =	swait.ge [sflag:s10], $0x200  }
0x11e: {  	[sflag:s10] =	ssyncset.done $0x0  }
0x11f: {  	[sflag:s10] =	ssyncadd.s32 $0xFFFFFE00  }
0x120: {  	_ =	sfence.sel $0x180000  }
0x121: {  	[bflag:$0x0] =	sbarrier.arrive $0xFFFF  }
0x122: {  	p0 =	sne.s32 s2, $0x0;
	_ =	strace $0x90000047  }
0x123: {  	s0 =	sadd.s32 @!p0 $0x100000, s0;
	[bflag:$0x2] =	sbarrier.arrive $0xFFFF  }
0x124: {  	[sflag:s0] =	ssyncadd.tile.s32 @!p0 $0x1;
	_ =	shalt  }
.Lfunc_end2:
_tile_overlayer_lowered:
.L_overlay_start_2:
0x125: {  	(tag) =	ssettag $0x2  }
0x126: {  	s0 =	rddreg [dreg:$0x0];
	s2 =	stileid.u32  }
0x127: {  	s1 =	rddreg [dreg:$0x1];
	p0 =	sne.s32 s2, $0x0  }
0x128: {  	s3 =	rddreg [dreg:$0x2];
	[bflag:$0x3] =	sbarrier.arrive $0xFFFF;
	s2 =	simm.s32 @!p0 $0x1C02  }
0x129: {  	[timem:s3], [sflag:s2] =	dma.local @!p0 [hbm:s0], s1  }
0x12a: {  	s0 =	simm.s32 @!p0 $0x2  }
0x12b: {  	_ =	swait.ge @!p0 [sflag:s0], s1  }
0x12c: {  	s1 =	ssub.s32 @!p0 $0x0, s1;
	[sflag:s0] =	ssyncset.done @!p0 $0x0  }
0x12d: {  	[sflag:s0] =	ssyncadd.s32 @!p0 s1  }
0x12e: {  	[bflag:$0x3] =	sbarrier.arrive $0xFFFF  }
0x12f: {  	_ =	shalt  }

</sc_bundles>
